<compile_context>
chip_gen: v7x
topology: tpu7x:2x2x1
jax: 0.10.2.dev20260603
libtpu: 0.0.44.dev20260713+nightly
codegen_flags: <defaults>
</compile_context>

<pallas_src>
import functools

import jax
import jax.numpy as jnp
from jax import lax
from jax.experimental import pallas as pl
from jax.experimental.pallas import tpu as pltpu
from jax.experimental.pallas import tpu_sc as plsc

B = 4
SEQ = 2048
NVIS = 256
HIDDEN = 1024

NC = 2
NS = 16
NW = NC * NS
TOK_PER_W = (B * SEQ) // NW
CHUNKS = (56, 56, 56, 56, 32)
BUF0_ROWS = max(CHUNKS[0::2])
BUF1_ROWS = max(CHUNKS[1::2])
NCHUNK = len(CHUNKS)


_SC_MESH = plsc.VectorSubcoreMesh(core_axis_name="c", subcore_axis_name="s")


@functools.partial(
    pl.kernel,
    mesh=_SC_MESH,
    out_type=jax.ShapeDtypeStruct((B, NVIS + SEQ, HIDDEN), jnp.float32),
    scratch_types=[
        pltpu.VMEM((TOK_PER_W,), jnp.int32),
        pltpu.VMEM((BUF0_ROWS, HIDDEN), jnp.float32),
        pltpu.VMEM((BUF1_ROWS, HIDDEN), jnp.float32),
        pltpu.SemaphoreType.DMA,
        pltpu.SemaphoreType.DMA,
    ],
)
def _gather_txt(tok_hbm, table_hbm, out_hbm, idx_v, buf0, buf1, gsem, ssem):
    wid = lax.axis_index("s") * NC + lax.axis_index("c")
    b = wid // (NW // B)
    part = wid % (NW // B)

    pltpu.sync_copy(tok_hbm.at[b, pl.ds(part * TOK_PER_W, TOK_PER_W)], idx_v)

    bufs = (buf0, buf1)
    offs = [sum(CHUNKS[:j]) for j in range(NCHUNK)]
    s0 = NVIS + part * TOK_PER_W

    def _buf(j):
        ch = CHUNKS[j]
        buf = bufs[j % 2]
        return buf if ch == buf.shape[0] else buf.at[pl.ds(0, ch), :]

    def _gather(j):
        return pltpu.async_copy(
            table_hbm.at[idx_v.at[pl.ds(offs[j], CHUNKS[j])]], _buf(j), gsem)

    g_h = [None] * NCHUNK
    s_h = [None] * NCHUNK
    g_h[0] = _gather(0)
    for j in range(NCHUNK):
        ch = CHUNKS[j]
        g_h[j].wait()
        if j + 1 < NCHUNK:
            if j >= 1:
                s_h[j - 1].wait()
            g_h[j + 1] = _gather(j + 1)
        s_h[j] = pltpu.async_copy(
            _buf(j), out_hbm.at[b, pl.ds(s0 + offs[j], ch), :], ssem)
    s_h[NCHUNK - 2].wait()
    s_h[NCHUNK - 1].wait()


def _proj_body(x_ref, w_ref, b_ref, o_ref):
    o_ref[0] = lax.dot_general(
        x_ref[0], w_ref[...], (((1,), (1,)), ((), ())),
        preferred_element_type=jnp.float32,
    ) + b_ref[...]


def _project(visual, w, b_lin):
    return pl.pallas_call(
        _proj_body,
        grid=(B,),
        in_specs=[
            pl.BlockSpec((1, NVIS, HIDDEN), lambda i: (i, 0, 0)),
            pl.BlockSpec((HIDDEN, HIDDEN), lambda i: (0, 0)),
            pl.BlockSpec((HIDDEN,), lambda i: (0,)),
        ],
        out_specs=pl.BlockSpec((1, NVIS, HIDDEN), lambda i: (i, 0, 0)),
        out_shape=jax.ShapeDtypeStruct((B, NVIS, HIDDEN), jnp.float32),
    )(visual, w, b_lin)


def _stitch_body(big_ref, vis_ref, o_ref):
    del big_ref
    o_ref[...] = vis_ref[...]


def _stitch(big, vis):
    return pl.pallas_call(
        _stitch_body,
        grid=(2,),
        in_specs=[
            pl.BlockSpec(memory_space=pl.ANY),
            pl.BlockSpec((B // 2, NVIS, HIDDEN), lambda i: (i, 0, 0)),
        ],
        out_specs=pl.BlockSpec((B // 2, NVIS, HIDDEN), lambda i: (i, 0, 0)),
        out_shape=jax.ShapeDtypeStruct((B, NVIS + SEQ, HIDDEN), jnp.float32),
        input_output_aliases={0: 0},
    )(big, vis)


def kernel(text_tokens, visual_embeddings, W, b_lin, table):
    big = _gather_txt(text_tokens, table)
    vis = _project(visual_embeddings, W, b_lin)
    return _stitch(big, vis)

# --- scband reference (transcript-rebuilt; emitter-appended) ---
"""Pipeline reference for scband-vlmembedding-16844861735184 (READ-ONLY COPY).

The authoritative reference and input builder live on the scoring server;
editing this copy changes nothing except your own understanding.
"""

import jax, jax.numpy as jnp
import numpy as np

VOCAB = 100000
HIDDEN = 1024
VIS_DIM = 1024
PAD_IDX = 0
B = 4
SEQ = 2048
NVIS = 256


def setup_inputs(seed: int = 0) -> dict:
    key = jax.random.key(seed)
    k1, k2, k3, k4, k5 = jax.random.split(key, 5)
    text_tokens = jax.random.randint(k1, (B, SEQ), 0, VOCAB, dtype=jnp.int64 if jax.config.jax_enable_x64 else jnp.int32)
    visual_embeddings = jax.random.normal(k2, (B, NVIS, VIS_DIM), dtype=jnp.float32)
    # Linear projector params (torch nn.Linear: y = x @ W.T + b)
    W = jax.random.normal(k3, (HIDDEN, VIS_DIM), dtype=jnp.float32) * 0.02
    b_lin = jax.random.normal(k4, (HIDDEN,), dtype=jnp.float32) * 0.02
    # Embedding table; torch zeros the padding_idx row at init
    table = jax.random.normal(k5, (VOCAB, HIDDEN), dtype=jnp.float32) * 0.02
    table = table.at[PAD_IDX].set(0.0)
    return {
        "text_tokens": text_tokens,
        "visual_embeddings": visual_embeddings,
        "W": W,
        "b_lin": b_lin,
        "table": table,
    }


def reference(text_tokens, visual_embeddings, W, b_lin, table):
    # linear_projector(visual_embeddings)
    vis = jnp.einsum('bnd,hd->bnh', visual_embeddings, W) + b_lin
    # text_embeddings lookup (SparseCore-friendly gather)
    txt = jnp.take(table, text_tokens, axis=0)
    # concat along sequence dim
    return jnp.concatenate((vis, txt), axis=1)

if __name__ == "__main__":
    import jax
    _d = setup_inputs()
    print(jax.jit(kernel)(*tuple(_d.values())))

</pallas_src>

<mosaic_0001>
#map = affine_map<(d0, d1) -> (0, 0)>
#map1 = affine_map<(d0, d1) -> (0, 0, 0)>
module attributes {stable_mosaic.version = 14 : i64} {
  func.func @_gather_txt(%arg0: i32, %arg1: i32, %arg2: memref<4x2048xi32, #tpu.memory_space<hbm>>, %arg3: memref<100000x1024xf32, #tpu.memory_space<hbm>>, %arg4: memref<4x2304x1024xf32, #tpu.memory_space<hbm>>, %arg5: memref<256xi32, #tpu.memory_space<vmem>>, %arg6: memref<56x1024xf32, #tpu.memory_space<vmem>>, %arg7: memref<56x1024xf32, #tpu.memory_space<vmem>>, %arg8: memref<!tpu.dma_semaphore, #tpu.memory_space<semaphore_mem>>, %arg9: memref<!tpu.dma_semaphore, #tpu.memory_space<semaphore_mem>>) attributes {dimension_semantics = [#tpu.dimension_semantics<core_parallel>, #tpu.dimension_semantics<subcore_parallel>], iteration_bounds = array<i64: 2, 16>, scalar_prefetch = 0 : i64, scratch_operands = 5 : i64, tpu.core_type = #tpu.core_type<sc_vector_subcore>, window_params = [{transform_indices = #map}, {transform_indices = #map}, {transform_indices = #map1}]} {
    %mul3A = arith.constant 2 : i32
    %mul3A_0 = arith.muli %arg1, %mul3A : i32
    %add3A = arith.addi %mul3A_0, %arg0 : i32
    %jit3A = arith.constant 8 : i32
    %div3A = arith.divsi %add3A, %jit3A : i32
    %sign3A = arith.constant 0 : i32
    %sign3A_1 = arith.cmpi sgt, %add3A, %sign3A : i32
    %sign3A_2 = arith.extui %sign3A_1 : i1 to i32
    %sign3A_3 = arith.constant 0 : i32
    %sign3A_4 = arith.cmpi slt, %add3A, %sign3A_3 : i32
    %sign3A_5 = arith.extui %sign3A_4 : i1 to i32
    %sign3A_6 = arith.subi %sign3A_2, %sign3A_5 : i32
    %sign3A_7 = arith.constant 0 : i32
    %sign3A_8 = arith.cmpi sgt, %jit3A, %sign3A_7 : i32
    %sign3A_9 = arith.extui %sign3A_8 : i1 to i32
    %sign3A_10 = arith.constant 0 : i32
    %sign3A_11 = arith.cmpi slt, %jit3A, %sign3A_10 : i32
    %sign3A_12 = arith.extui %sign3A_11 : i1 to i32
    %sign3A_13 = arith.subi %sign3A_9, %sign3A_12 : i32
    %ne3A = arith.cmpi ne, %sign3A_6, %sign3A_13 : i32
    %rem3A = arith.remsi %add3A, %jit3A : i32
    %ne3A_14 = arith.constant 0 : i32
    %ne3A_15 = arith.cmpi ne, %rem3A, %ne3A_14 : i32
    %and3A = arith.andi %ne3A, %ne3A_15 : i1
    %sub3A = arith.constant 1 : i32
    %sub3A_16 = arith.subi %div3A, %sub3A : i32
    %select_n3A = arith.select %and3A, %sub3A_16, %div3A : i32
    %jit3A_17 = arith.constant 8 : i32
    %eq3A = arith.constant 0 : i32
    %eq3A_18 = arith.cmpi eq, %jit3A_17, %eq3A : i32
    %jit3A_19 = arith.constant 1 : i32
    %select_n3A_20 = arith.select %eq3A_18, %jit3A_19, %jit3A_17 : i32
    %rem3A_21 = arith.remsi %add3A, %select_n3A_20 : i32
    %ne3A_22 = arith.constant 0 : i32
    %ne3A_23 = arith.cmpi ne, %rem3A_21, %ne3A_22 : i32
    %lt3A = arith.constant 0 : i32
    %lt3A_24 = arith.cmpi slt, %rem3A_21, %lt3A : i32
    %lt3A_25 = arith.constant 0 : i32
    %lt3A_26 = arith.cmpi slt, %select_n3A_20, %lt3A_25 : i32
    %ne3A_27 = arith.xori %lt3A_24, %lt3A_26 : i1
    %and3A_28 = arith.andi %ne3A_27, %ne3A_23 : i1
    %add3A_29 = arith.addi %rem3A_21, %select_n3A_20 : i32
    %select_n3A_30 = arith.select %and3A_28, %add3A_29, %rem3A_21 : i32
    %mul3A_31 = arith.constant 256 : i32
    %mul3A_32 = arith.muli %select_n3A_30, %mul3A_31 : i32
    "tpu.region"() ({
      %run_scoped3A = tpu.sem_alloc : memref<!tpu.dma_semaphore, #tpu.memory_space<semaphore_mem>>
      %dma_start3A_173 = tpu.memref_slice %arg2[%select_n3A, %mul3A_32] : memref<4x2048xi32, #tpu.memory_space<hbm>> -> memref<1x256xi32, #tpu.memory_space<hbm>>
      %dma_start3A_174 = tpu.memref_squeeze %dma_start3A_173 : memref<1x256xi32, #tpu.memory_space<hbm>> -> memref<256xi32, #tpu.memory_space<hbm>>
      %dma_start3A_175 = tpu.memref_slice %arg2[%select_n3A, %mul3A_32] : memref<4x2048xi32, #tpu.memory_space<hbm>> -> memref<1x256xi32, #tpu.memory_space<hbm>>
      %dma_start3A_176 = tpu.memref_squeeze %dma_start3A_175 : memref<1x256xi32, #tpu.memory_space<hbm>> -> memref<256xi32, #tpu.memory_space<hbm>>
      tpu.enqueue_dma source(%dma_start3A_176 : memref<256xi32, #tpu.memory_space<hbm>>) target(%arg5 : memref<256xi32, #tpu.memory_space<vmem>>) target_semaphore(%run_scoped3A : memref<!tpu.dma_semaphore, #tpu.memory_space<semaphore_mem>>)
      %dma_wait3A_177 = tpu.memref_slice %arg2[%select_n3A, %mul3A_32] : memref<4x2048xi32, #tpu.memory_space<hbm>> -> memref<1x256xi32, #tpu.memory_space<hbm>>
      %dma_wait3A_178 = tpu.memref_squeeze %dma_wait3A_177 : memref<1x256xi32, #tpu.memory_space<hbm>> -> memref<256xi32, #tpu.memory_space<hbm>>
      %dma_wait3A_179 = tpu.memref_slice %arg2[%select_n3A, %mul3A_32] : memref<4x2048xi32, #tpu.memory_space<hbm>> -> memref<1x256xi32, #tpu.memory_space<hbm>>
      %dma_wait3A_180 = tpu.memref_squeeze %dma_wait3A_179 : memref<1x256xi32, #tpu.memory_space<hbm>> -> memref<256xi32, #tpu.memory_space<hbm>>
      tpu.wait_dma2 semaphore(%run_scoped3A : memref<!tpu.dma_semaphore, #tpu.memory_space<semaphore_mem>>) src(%dma_wait3A_180 : memref<256xi32, #tpu.memory_space<hbm>>) dst(%arg5 : memref<256xi32, #tpu.memory_space<vmem>>)
      tpu.yield
    }) : () -> ()
    %mul3A_33 = arith.constant 256 : i32
    %mul3A_34 = arith.muli %select_n3A_30, %mul3A_33 : i32
    %add3A_35 = arith.constant 256 : i32
    %add3A_36 = arith.addi %add3A_35, %mul3A_34 : i32
    %dma_start3A = arith.constant 0 : i32
    %dma_start3A_37 = tpu.memref_slice %arg5[%dma_start3A] : memref<256xi32, #tpu.memory_space<vmem>> -> memref<56xi32, #tpu.memory_space<vmem>>
    %dma_start3A_38 = arith.constant 0 : i32
    %dma_start3A_39 = arith.constant 0 : i32
    %dma_start3A_40 = tpu.memref_slice %arg3[%dma_start3A_38, %dma_start3A_39] : memref<100000x1024xf32, #tpu.memory_space<hbm>> -> memref<100000x1024xf32, #tpu.memory_space<hbm>>
    tpu.enqueue_indirect_dma source(%dma_start3A_40 : memref<100000x1024xf32, #tpu.memory_space<hbm>>) target(%arg6 : memref<56x1024xf32, #tpu.memory_space<vmem>>) offsets(%dma_start3A_37 : memref<56xi32, #tpu.memory_space<vmem>>) semaphore(%arg8 : memref<!tpu.dma_semaphore, #tpu.memory_space<semaphore_mem>>)
    %dma_wait3A = arith.constant 0 : i32
    %dma_wait3A_41 = tpu.memref_slice %arg5[%dma_wait3A] : memref<256xi32, #tpu.memory_space<vmem>> -> memref<56xi32, #tpu.memory_space<vmem>>
    %dma_wait3A_42 = arith.constant 0 : i32
    %dma_wait3A_43 = arith.constant 0 : i32
    %dma_wait3A_44 = tpu.memref_slice %arg3[%dma_wait3A_42, %dma_wait3A_43] : memref<100000x1024xf32, #tpu.memory_space<hbm>> -> memref<100000x1024xf32, #tpu.memory_space<hbm>>
    tpu.wait_indirect_dma semaphore(%arg8 : memref<!tpu.dma_semaphore, #tpu.memory_space<semaphore_mem>>) src(%dma_wait3A_44 : memref<100000x1024xf32, #tpu.memory_space<hbm>>) dst(%arg6 : memref<56x1024xf32, #tpu.memory_space<vmem>>)
    %dma_start3A_45 = arith.constant 56 : i32
    %dma_start3A_46 = tpu.memref_slice %arg5[%dma_start3A_45] : memref<256xi32, #tpu.memory_space<vmem>> -> memref<56xi32, #tpu.memory_space<vmem>>
    %dma_start3A_47 = arith.constant 0 : i32
    %dma_start3A_48 = arith.constant 0 : i32
    %dma_start3A_49 = tpu.memref_slice %arg3[%dma_start3A_47, %dma_start3A_48] : memref<100000x1024xf32, #tpu.memory_space<hbm>> -> memref<100000x1024xf32, #tpu.memory_space<hbm>>
    tpu.enqueue_indirect_dma source(%dma_start3A_49 : memref<100000x1024xf32, #tpu.memory_space<hbm>>) target(%arg7 : memref<56x1024xf32, #tpu.memory_space<vmem>>) offsets(%dma_start3A_46 : memref<56xi32, #tpu.memory_space<vmem>>) semaphore(%arg8 : memref<!tpu.dma_semaphore, #tpu.memory_space<semaphore_mem>>)
    %add3A_50 = arith.constant 0 : i32
    %add3A_51 = arith.addi %add3A_36, %add3A_50 : i32
    %dma_start3A_52 = arith.constant 0 : i32
    %dma_start3A_53 = tpu.memref_slice %arg4[%select_n3A, %add3A_51, %dma_start3A_52] : memref<4x2304x1024xf32, #tpu.memory_space<hbm>> -> memref<1x56x1024xf32, #tpu.memory_space<hbm>>
    %dma_start3A_54 = tpu.memref_squeeze %dma_start3A_53 : memref<1x56x1024xf32, #tpu.memory_space<hbm>> -> memref<56x1024xf32, #tpu.memory_space<hbm>>
    %dma_start3A_55 = arith.constant 0 : i32
    %dma_start3A_56 = tpu.memref_slice %arg4[%select_n3A, %add3A_51, %dma_start3A_55] : memref<4x2304x1024xf32, #tpu.memory_space<hbm>> -> memref<1x56x1024xf32, #tpu.memory_space<hbm>>
    %dma_start3A_57 = tpu.memref_squeeze %dma_start3A_56 : memref<1x56x1024xf32, #tpu.memory_space<hbm>> -> memref<56x1024xf32, #tpu.memory_space<hbm>>
    tpu.enqueue_dma source(%arg6 : memref<56x1024xf32, #tpu.memory_space<vmem>>) target(%dma_start3A_57 : memref<56x1024xf32, #tpu.memory_space<hbm>>) target_semaphore(%arg9 : memref<!tpu.dma_semaphore, #tpu.memory_space<semaphore_mem>>)
    %dma_wait3A_58 = arith.constant 56 : i32
    %dma_wait3A_59 = tpu.memref_slice %arg5[%dma_wait3A_58] : memref<256xi32, #tpu.memory_space<vmem>> -> memref<56xi32, #tpu.memory_space<vmem>>
    %dma_wait3A_60 = arith.constant 0 : i32
    %dma_wait3A_61 = arith.constant 0 : i32
    %dma_wait3A_62 = tpu.memref_slice %arg3[%dma_wait3A_60, %dma_wait3A_61] : memref<100000x1024xf32, #tpu.memory_space<hbm>> -> memref<100000x1024xf32, #tpu.memory_space<hbm>>
    tpu.wait_indirect_dma semaphore(%arg8 : memref<!tpu.dma_semaphore, #tpu.memory_space<semaphore_mem>>) src(%dma_wait3A_62 : memref<100000x1024xf32, #tpu.memory_space<hbm>>) dst(%arg7 : memref<56x1024xf32, #tpu.memory_space<vmem>>)
    %dma_wait3A_63 = arith.constant 0 : i32
    %dma_wait3A_64 = tpu.memref_slice %arg4[%select_n3A, %add3A_51, %dma_wait3A_63] : memref<4x2304x1024xf32, #tpu.memory_space<hbm>> -> memref<1x56x1024xf32, #tpu.memory_space<hbm>>
    %dma_wait3A_65 = tpu.memref_squeeze %dma_wait3A_64 : memref<1x56x1024xf32, #tpu.memory_space<hbm>> -> memref<56x1024xf32, #tpu.memory_space<hbm>>
    %dma_wait3A_66 = arith.constant 0 : i32
    %dma_wait3A_67 = tpu.memref_slice %arg4[%select_n3A, %add3A_51, %dma_wait3A_66] : memref<4x2304x1024xf32, #tpu.memory_space<hbm>> -> memref<1x56x1024xf32, #tpu.memory_space<hbm>>
    %dma_wait3A_68 = tpu.memref_squeeze %dma_wait3A_67 : memref<1x56x1024xf32, #tpu.memory_space<hbm>> -> memref<56x1024xf32, #tpu.memory_space<hbm>>
    tpu.wait_dma2 semaphore(%arg9 : memref<!tpu.dma_semaphore, #tpu.memory_space<semaphore_mem>>) src(%arg6 : memref<56x1024xf32, #tpu.memory_space<vmem>>) dst(%dma_wait3A_68 : memref<56x1024xf32, #tpu.memory_space<hbm>>)
    %dma_start3A_69 = arith.constant 112 : i32
    %dma_start3A_70 = tpu.memref_slice %arg5[%dma_start3A_69] : memref<256xi32, #tpu.memory_space<vmem>> -> memref<56xi32, #tpu.memory_space<vmem>>
    %dma_start3A_71 = arith.constant 0 : i32
    %dma_start3A_72 = arith.constant 0 : i32
    %dma_start3A_73 = tpu.memref_slice %arg3[%dma_start3A_71, %dma_start3A_72] : memref<100000x1024xf32, #tpu.memory_space<hbm>> -> memref<100000x1024xf32, #tpu.memory_space<hbm>>
    tpu.enqueue_indirect_dma source(%dma_start3A_73 : memref<100000x1024xf32, #tpu.memory_space<hbm>>) target(%arg6 : memref<56x1024xf32, #tpu.memory_space<vmem>>) offsets(%dma_start3A_70 : memref<56xi32, #tpu.memory_space<vmem>>) semaphore(%arg8 : memref<!tpu.dma_semaphore, #tpu.memory_space<semaphore_mem>>)
    %add3A_74 = arith.constant 56 : i32
    %add3A_75 = arith.addi %add3A_36, %add3A_74 : i32
    %dma_start3A_76 = arith.constant 0 : i32
    %dma_start3A_77 = tpu.memref_slice %arg4[%select_n3A, %add3A_75, %dma_start3A_76] : memref<4x2304x1024xf32, #tpu.memory_space<hbm>> -> memref<1x56x1024xf32, #tpu.memory_space<hbm>>
    %dma_start3A_78 = tpu.memref_squeeze %dma_start3A_77 : memref<1x56x1024xf32, #tpu.memory_space<hbm>> -> memref<56x1024xf32, #tpu.memory_space<hbm>>
    %dma_start3A_79 = arith.constant 0 : i32
    %dma_start3A_80 = tpu.memref_slice %arg4[%select_n3A, %add3A_75, %dma_start3A_79] : memref<4x2304x1024xf32, #tpu.memory_space<hbm>> -> memref<1x56x1024xf32, #tpu.memory_space<hbm>>
    %dma_start3A_81 = tpu.memref_squeeze %dma_start3A_80 : memref<1x56x1024xf32, #tpu.memory_space<hbm>> -> memref<56x1024xf32, #tpu.memory_space<hbm>>
    tpu.enqueue_dma source(%arg7 : memref<56x1024xf32, #tpu.memory_space<vmem>>) target(%dma_start3A_81 : memref<56x1024xf32, #tpu.memory_space<hbm>>) target_semaphore(%arg9 : memref<!tpu.dma_semaphore, #tpu.memory_space<semaphore_mem>>)
    %dma_wait3A_82 = arith.constant 112 : i32
    %dma_wait3A_83 = tpu.memref_slice %arg5[%dma_wait3A_82] : memref<256xi32, #tpu.memory_space<vmem>> -> memref<56xi32, #tpu.memory_space<vmem>>
    %dma_wait3A_84 = arith.constant 0 : i32
    %dma_wait3A_85 = arith.constant 0 : i32
    %dma_wait3A_86 = tpu.memref_slice %arg3[%dma_wait3A_84, %dma_wait3A_85] : memref<100000x1024xf32, #tpu.memory_space<hbm>> -> memref<100000x1024xf32, #tpu.memory_space<hbm>>
    tpu.wait_indirect_dma semaphore(%arg8 : memref<!tpu.dma_semaphore, #tpu.memory_space<semaphore_mem>>) src(%dma_wait3A_86 : memref<100000x1024xf32, #tpu.memory_space<hbm>>) dst(%arg6 : memref<56x1024xf32, #tpu.memory_space<vmem>>)
    %dma_wait3A_87 = arith.constant 0 : i32
    %dma_wait3A_88 = tpu.memref_slice %arg4[%select_n3A, %add3A_75, %dma_wait3A_87] : memref<4x2304x1024xf32, #tpu.memory_space<hbm>> -> memref<1x56x1024xf32, #tpu.memory_space<hbm>>
    %dma_wait3A_89 = tpu.memref_squeeze %dma_wait3A_88 : memref<1x56x1024xf32, #tpu.memory_space<hbm>> -> memref<56x1024xf32, #tpu.memory_space<hbm>>
    %dma_wait3A_90 = arith.constant 0 : i32
    %dma_wait3A_91 = tpu.memref_slice %arg4[%select_n3A, %add3A_75, %dma_wait3A_90] : memref<4x2304x1024xf32, #tpu.memory_space<hbm>> -> memref<1x56x1024xf32, #tpu.memory_space<hbm>>
    %dma_wait3A_92 = tpu.memref_squeeze %dma_wait3A_91 : memref<1x56x1024xf32, #tpu.memory_space<hbm>> -> memref<56x1024xf32, #tpu.memory_space<hbm>>
    tpu.wait_dma2 semaphore(%arg9 : memref<!tpu.dma_semaphore, #tpu.memory_space<semaphore_mem>>) src(%arg7 : memref<56x1024xf32, #tpu.memory_space<vmem>>) dst(%dma_wait3A_92 : memref<56x1024xf32, #tpu.memory_space<hbm>>)
    %dma_start3A_93 = arith.constant 168 : i32
    %dma_start3A_94 = tpu.memref_slice %arg5[%dma_start3A_93] : memref<256xi32, #tpu.memory_space<vmem>> -> memref<56xi32, #tpu.memory_space<vmem>>
    %dma_start3A_95 = arith.constant 0 : i32
    %dma_start3A_96 = arith.constant 0 : i32
    %dma_start3A_97 = tpu.memref_slice %arg3[%dma_start3A_95, %dma_start3A_96] : memref<100000x1024xf32, #tpu.memory_space<hbm>> -> memref<100000x1024xf32, #tpu.memory_space<hbm>>
    tpu.enqueue_indirect_dma source(%dma_start3A_97 : memref<100000x1024xf32, #tpu.memory_space<hbm>>) target(%arg7 : memref<56x1024xf32, #tpu.memory_space<vmem>>) offsets(%dma_start3A_94 : memref<56xi32, #tpu.memory_space<vmem>>) semaphore(%arg8 : memref<!tpu.dma_semaphore, #tpu.memory_space<semaphore_mem>>)
    %add3A_98 = arith.constant 112 : i32
    %add3A_99 = arith.addi %add3A_36, %add3A_98 : i32
    %dma_start3A_100 = arith.constant 0 : i32
    %dma_start3A_101 = tpu.memref_slice %arg4[%select_n3A, %add3A_99, %dma_start3A_100] : memref<4x2304x1024xf32, #tpu.memory_space<hbm>> -> memref<1x56x1024xf32, #tpu.memory_space<hbm>>
    %dma_start3A_102 = tpu.memref_squeeze %dma_start3A_101 : memref<1x56x1024xf32, #tpu.memory_space<hbm>> -> memref<56x1024xf32, #tpu.memory_space<hbm>>
    %dma_start3A_103 = arith.constant 0 : i32
    %dma_start3A_104 = tpu.memref_slice %arg4[%select_n3A, %add3A_99, %dma_start3A_103] : memref<4x2304x1024xf32, #tpu.memory_space<hbm>> -> memref<1x56x1024xf32, #tpu.memory_space<hbm>>
    %dma_start3A_105 = tpu.memref_squeeze %dma_start3A_104 : memref<1x56x1024xf32, #tpu.memory_space<hbm>> -> memref<56x1024xf32, #tpu.memory_space<hbm>>
    tpu.enqueue_dma source(%arg6 : memref<56x1024xf32, #tpu.memory_space<vmem>>) target(%dma_start3A_105 : memref<56x1024xf32, #tpu.memory_space<hbm>>) target_semaphore(%arg9 : memref<!tpu.dma_semaphore, #tpu.memory_space<semaphore_mem>>)
    %dma_wait3A_106 = arith.constant 168 : i32
    %dma_wait3A_107 = tpu.memref_slice %arg5[%dma_wait3A_106] : memref<256xi32, #tpu.memory_space<vmem>> -> memref<56xi32, #tpu.memory_space<vmem>>
    %dma_wait3A_108 = arith.constant 0 : i32
    %dma_wait3A_109 = arith.constant 0 : i32
    %dma_wait3A_110 = tpu.memref_slice %arg3[%dma_wait3A_108, %dma_wait3A_109] : memref<100000x1024xf32, #tpu.memory_space<hbm>> -> memref<100000x1024xf32, #tpu.memory_space<hbm>>
    tpu.wait_indirect_dma semaphore(%arg8 : memref<!tpu.dma_semaphore, #tpu.memory_space<semaphore_mem>>) src(%dma_wait3A_110 : memref<100000x1024xf32, #tpu.memory_space<hbm>>) dst(%arg7 : memref<56x1024xf32, #tpu.memory_space<vmem>>)
    %dma_wait3A_111 = arith.constant 0 : i32
    %dma_wait3A_112 = tpu.memref_slice %arg4[%select_n3A, %add3A_99, %dma_wait3A_111] : memref<4x2304x1024xf32, #tpu.memory_space<hbm>> -> memref<1x56x1024xf32, #tpu.memory_space<hbm>>
    %dma_wait3A_113 = tpu.memref_squeeze %dma_wait3A_112 : memref<1x56x1024xf32, #tpu.memory_space<hbm>> -> memref<56x1024xf32, #tpu.memory_space<hbm>>
    %dma_wait3A_114 = arith.constant 0 : i32
    %dma_wait3A_115 = tpu.memref_slice %arg4[%select_n3A, %add3A_99, %dma_wait3A_114] : memref<4x2304x1024xf32, #tpu.memory_space<hbm>> -> memref<1x56x1024xf32, #tpu.memory_space<hbm>>
    %dma_wait3A_116 = tpu.memref_squeeze %dma_wait3A_115 : memref<1x56x1024xf32, #tpu.memory_space<hbm>> -> memref<56x1024xf32, #tpu.memory_space<hbm>>
    tpu.wait_dma2 semaphore(%arg9 : memref<!tpu.dma_semaphore, #tpu.memory_space<semaphore_mem>>) src(%arg6 : memref<56x1024xf32, #tpu.memory_space<vmem>>) dst(%dma_wait3A_116 : memref<56x1024xf32, #tpu.memory_space<hbm>>)
    %dma_start3A_117 = arith.constant 0 : i32
    %dma_start3A_118 = arith.constant 0 : i32
    %dma_start3A_119 = tpu.memref_slice %arg6[%dma_start3A_117, %dma_start3A_118] : memref<56x1024xf32, #tpu.memory_space<vmem>> -> memref<32x1024xf32, #tpu.memory_space<vmem>>
    %dma_start3A_120 = arith.constant 224 : i32
    %dma_start3A_121 = tpu.memref_slice %arg5[%dma_start3A_120] : memref<256xi32, #tpu.memory_space<vmem>> -> memref<32xi32, #tpu.memory_space<vmem>>
    %dma_start3A_122 = arith.constant 0 : i32
    %dma_start3A_123 = arith.constant 0 : i32
    %dma_start3A_124 = tpu.memref_slice %arg3[%dma_start3A_122, %dma_start3A_123] : memref<100000x1024xf32, #tpu.memory_space<hbm>> -> memref<100000x1024xf32, #tpu.memory_space<hbm>>
    tpu.enqueue_indirect_dma source(%dma_start3A_124 : memref<100000x1024xf32, #tpu.memory_space<hbm>>) target(%dma_start3A_119 : memref<32x1024xf32, #tpu.memory_space<vmem>>) offsets(%dma_start3A_121 : memref<32xi32, #tpu.memory_space<vmem>>) semaphore(%arg8 : memref<!tpu.dma_semaphore, #tpu.memory_space<semaphore_mem>>)
    %add3A_125 = arith.constant 168 : i32
    %add3A_126 = arith.addi %add3A_36, %add3A_125 : i32
    %dma_start3A_127 = arith.constant 0 : i32
    %dma_start3A_128 = tpu.memref_slice %arg4[%select_n3A, %add3A_126, %dma_start3A_127] : memref<4x2304x1024xf32, #tpu.memory_space<hbm>> -> memref<1x56x1024xf32, #tpu.memory_space<hbm>>
    %dma_start3A_129 = tpu.memref_squeeze %dma_start3A_128 : memref<1x56x1024xf32, #tpu.memory_space<hbm>> -> memref<56x1024xf32, #tpu.memory_space<hbm>>
    %dma_start3A_130 = arith.constant 0 : i32
    %dma_start3A_131 = tpu.memref_slice %arg4[%select_n3A, %add3A_126, %dma_start3A_130] : memref<4x2304x1024xf32, #tpu.memory_space<hbm>> -> memref<1x56x1024xf32, #tpu.memory_space<hbm>>
    %dma_start3A_132 = tpu.memref_squeeze %dma_start3A_131 : memref<1x56x1024xf32, #tpu.memory_space<hbm>> -> memref<56x1024xf32, #tpu.memory_space<hbm>>
    tpu.enqueue_dma source(%arg7 : memref<56x1024xf32, #tpu.memory_space<vmem>>) target(%dma_start3A_132 : memref<56x1024xf32, #tpu.memory_space<hbm>>) target_semaphore(%arg9 : memref<!tpu.dma_semaphore, #tpu.memory_space<semaphore_mem>>)
    %dma_wait3A_133 = arith.constant 0 : i32
    %dma_wait3A_134 = arith.constant 0 : i32
    %dma_wait3A_135 = tpu.memref_slice %arg6[%dma_wait3A_133, %dma_wait3A_134] : memref<56x1024xf32, #tpu.memory_space<vmem>> -> memref<32x1024xf32, #tpu.memory_space<vmem>>
    %dma_wait3A_136 = arith.constant 224 : i32
    %dma_wait3A_137 = tpu.memref_slice %arg5[%dma_wait3A_136] : memref<256xi32, #tpu.memory_space<vmem>> -> memref<32xi32, #tpu.memory_space<vmem>>
    %dma_wait3A_138 = arith.constant 0 : i32
    %dma_wait3A_139 = arith.constant 0 : i32
    %dma_wait3A_140 = tpu.memref_slice %arg3[%dma_wait3A_138, %dma_wait3A_139] : memref<100000x1024xf32, #tpu.memory_space<hbm>> -> memref<100000x1024xf32, #tpu.memory_space<hbm>>
    tpu.wait_indirect_dma semaphore(%arg8 : memref<!tpu.dma_semaphore, #tpu.memory_space<semaphore_mem>>) src(%dma_wait3A_140 : memref<100000x1024xf32, #tpu.memory_space<hbm>>) dst(%dma_wait3A_135 : memref<32x1024xf32, #tpu.memory_space<vmem>>)
    %add3A_141 = arith.constant 224 : i32
    %add3A_142 = arith.addi %add3A_36, %add3A_141 : i32
    %dma_start3A_143 = arith.constant 0 : i32
    %dma_start3A_144 = arith.constant 0 : i32
    %dma_start3A_145 = tpu.memref_slice %arg6[%dma_start3A_143, %dma_start3A_144] : memref<56x1024xf32, #tpu.memory_space<vmem>> -> memref<32x1024xf32, #tpu.memory_space<vmem>>
    %dma_start3A_146 = arith.constant 0 : i32
    %dma_start3A_147 = tpu.memref_slice %arg4[%select_n3A, %add3A_142, %dma_start3A_146] : memref<4x2304x1024xf32, #tpu.memory_space<hbm>> -> memref<1x32x1024xf32, #tpu.memory_space<hbm>>
    %dma_start3A_148 = tpu.memref_squeeze %dma_start3A_147 : memref<1x32x1024xf32, #tpu.memory_space<hbm>> -> memref<32x1024xf32, #tpu.memory_space<hbm>>
    %dma_start3A_149 = arith.constant 0 : i32
    %dma_start3A_150 = tpu.memref_slice %arg4[%select_n3A, %add3A_142, %dma_start3A_149] : memref<4x2304x1024xf32, #tpu.memory_space<hbm>> -> memref<1x32x1024xf32, #tpu.memory_space<hbm>>
    %dma_start3A_151 = tpu.memref_squeeze %dma_start3A_150 : memref<1x32x1024xf32, #tpu.memory_space<hbm>> -> memref<32x1024xf32, #tpu.memory_space<hbm>>
    %dma_start3A_152 = arith.constant 0 : i32
    %dma_start3A_153 = arith.constant 0 : i32
    %dma_start3A_154 = tpu.memref_slice %arg6[%dma_start3A_152, %dma_start3A_153] : memref<56x1024xf32, #tpu.memory_space<vmem>> -> memref<32x1024xf32, #tpu.memory_space<vmem>>
    tpu.enqueue_dma source(%dma_start3A_154 : memref<32x1024xf32, #tpu.memory_space<vmem>>) target(%dma_start3A_151 : memref<32x1024xf32, #tpu.memory_space<hbm>>) target_semaphore(%arg9 : memref<!tpu.dma_semaphore, #tpu.memory_space<semaphore_mem>>)
    %dma_wait3A_155 = arith.constant 0 : i32
    %dma_wait3A_156 = tpu.memref_slice %arg4[%select_n3A, %add3A_126, %dma_wait3A_155] : memref<4x2304x1024xf32, #tpu.memory_space<hbm>> -> memref<1x56x1024xf32, #tpu.memory_space<hbm>>
    %dma_wait3A_157 = tpu.memref_squeeze %dma_wait3A_156 : memref<1x56x1024xf32, #tpu.memory_space<hbm>> -> memref<56x1024xf32, #tpu.memory_space<hbm>>
    %dma_wait3A_158 = arith.constant 0 : i32
    %dma_wait3A_159 = tpu.memref_slice %arg4[%select_n3A, %add3A_126, %dma_wait3A_158] : memref<4x2304x1024xf32, #tpu.memory_space<hbm>> -> memref<1x56x1024xf32, #tpu.memory_space<hbm>>
    %dma_wait3A_160 = tpu.memref_squeeze %dma_wait3A_159 : memref<1x56x1024xf32, #tpu.memory_space<hbm>> -> memref<56x1024xf32, #tpu.memory_space<hbm>>
    tpu.wait_dma2 semaphore(%arg9 : memref<!tpu.dma_semaphore, #tpu.memory_space<semaphore_mem>>) src(%arg7 : memref<56x1024xf32, #tpu.memory_space<vmem>>) dst(%dma_wait3A_160 : memref<56x1024xf32, #tpu.memory_space<hbm>>)
    %dma_wait3A_161 = arith.constant 0 : i32
    %dma_wait3A_162 = arith.constant 0 : i32
    %dma_wait3A_163 = tpu.memref_slice %arg6[%dma_wait3A_161, %dma_wait3A_162] : memref<56x1024xf32, #tpu.memory_space<vmem>> -> memref<32x1024xf32, #tpu.memory_space<vmem>>
    %dma_wait3A_164 = arith.constant 0 : i32
    %dma_wait3A_165 = tpu.memref_slice %arg4[%select_n3A, %add3A_142, %dma_wait3A_164] : memref<4x2304x1024xf32, #tpu.memory_space<hbm>> -> memref<1x32x1024xf32, #tpu.memory_space<hbm>>
    %dma_wait3A_166 = tpu.memref_squeeze %dma_wait3A_165 : memref<1x32x1024xf32, #tpu.memory_space<hbm>> -> memref<32x1024xf32, #tpu.memory_space<hbm>>
    %dma_wait3A_167 = arith.constant 0 : i32
    %dma_wait3A_168 = tpu.memref_slice %arg4[%select_n3A, %add3A_142, %dma_wait3A_167] : memref<4x2304x1024xf32, #tpu.memory_space<hbm>> -> memref<1x32x1024xf32, #tpu.memory_space<hbm>>
    %dma_wait3A_169 = tpu.memref_squeeze %dma_wait3A_168 : memref<1x32x1024xf32, #tpu.memory_space<hbm>> -> memref<32x1024xf32, #tpu.memory_space<hbm>>
    %dma_wait3A_170 = arith.constant 0 : i32
    %dma_wait3A_171 = arith.constant 0 : i32
    %dma_wait3A_172 = tpu.memref_slice %arg6[%dma_wait3A_170, %dma_wait3A_171] : memref<56x1024xf32, #tpu.memory_space<vmem>> -> memref<32x1024xf32, #tpu.memory_space<vmem>>
    tpu.wait_dma2 semaphore(%arg9 : memref<!tpu.dma_semaphore, #tpu.memory_space<semaphore_mem>>) src(%dma_wait3A_172 : memref<32x1024xf32, #tpu.memory_space<vmem>>) dst(%dma_wait3A_169 : memref<32x1024xf32, #tpu.memory_space<hbm>>)
    return
  }
}

module attributes {stable_mosaic.version = 14 : i64} {
  func.func @_proj_body(%arg0: i32, %arg1: memref<1x256x1024xf32, #tpu.memory_space<vmem>>, %arg2: memref<1024x1024xf32, #tpu.memory_space<vmem>>, %arg3: memref<1024xf32, #tpu.memory_space<vmem>>, %arg4: memref<1x256x1024xf32, #tpu.memory_space<vmem>>) attributes {dimension_semantics = [#tpu.dimension_semantics<arbitrary>], iteration_bounds = array<i64: 4>, scalar_prefetch = 0 : i64, scratch_operands = 0 : i64, tpu.core_type = #tpu.core_type<tc>, window_params = [{transform_indices = @transform_0, window_bounds = array<i64: 1, 256, 1024>}, {pipeline_mode = #tpu.pipeline_mode<synchronous>, transform_indices = @transform_1, window_bounds = array<i64: 1024, 1024>}, {pipeline_mode = #tpu.pipeline_mode<synchronous>, transform_indices = @transform_2, window_bounds = array<i64: 1024>}, {transform_indices = @transform_3, window_bounds = array<i64: 1, 256, 1024>}]} {
    %get3A = arith.constant 0 : index
    %get3A_0 = arith.constant 0 : index
    %get3A_1 = arith.constant 0 : index
    %get3A_2 = vector.load %arg1[%get3A, %get3A_0, %get3A_1] : memref<1x256x1024xf32, #tpu.memory_space<vmem>>, vector<1x256x1024xf32>
    %get3A_3 = vector.shape_cast %get3A_2 : vector<1x256x1024xf32> to vector<256x1024xf32>
    %get3A_4 = arith.constant 0 : index
    %get3A_5 = arith.constant 0 : index
    %get3A_6 = vector.load %arg2[%get3A_4, %get3A_5] : memref<1024x1024xf32, #tpu.memory_space<vmem>>, vector<1024x1024xf32>
    %dot_general3A = arith.constant dense<0.000000e+00> : vector<256x1024xf32>
    %dot_general3A_7 = tpu.matmul %get3A_3, %get3A_6, %dot_general3A {dimension_numbers = #tpu.dot_dimension_numbers<[1], [1], [0], [0], [0, 0, 1, 0], [], []>, transpose_lhs_hint = false} : vector<256x1024xf32>, vector<1024x1024xf32>, vector<256x1024xf32> -> vector<256x1024xf32>
    %get3A_8 = arith.constant 0 : index
    %get3A_9 = vector.load %arg3[%get3A_8] : memref<1024xf32, #tpu.memory_space<vmem>>, vector<1024xf32>
    %broadcast_in_dim3A = vector.shape_cast %get3A_9 : vector<1024xf32> to vector<1x1024xf32>
    %add3A = vector.broadcast %broadcast_in_dim3A : vector<1x1024xf32> to vector<256x1024xf32>
    %add3A_10 = arith.addf %dot_general3A_7, %add3A : vector<256x1024xf32>
    %swap3A = arith.constant 0 : index
    %swap3A_11 = arith.constant 0 : index
    %swap3A_12 = arith.constant 0 : index
    %swap3A_13 = vector.load %arg4[%swap3A, %swap3A_11, %swap3A_12] : memref<1x256x1024xf32, #tpu.memory_space<vmem>>, vector<1x256x1024xf32>
    %swap3A_14 = vector.shape_cast %swap3A_13 : vector<1x256x1024xf32> to vector<256x1024xf32>
    %swap3A_15 = vector.shape_cast %add3A_10 : vector<256x1024xf32> to vector<1x256x1024xf32>
    tpu.vector_store %arg4[%swap3A, %swap3A_11, %swap3A_12], %swap3A_15 {strides = array<i32>} : memref<1x256x1024xf32, #tpu.memory_space<vmem>>, vector<1x256x1024xf32>,
    return
  }
  func.func @transform_0(%arg0: i32) -> (i32, i32, i32) {
    %c0_i32 = arith.constant 0 : i32
    %c0_i32_0 = arith.constant 0 : i32
    %c0_i32_1 = arith.constant 0 : i32
    return %arg0, %c0_i32, %c0_i32_0 : i32, i32, i32
  }
  func.func @transform_1(%arg0: i32) -> (i32, i32) {
    %c0_i32 = arith.constant 0 : i32
    %c0_i32_0 = arith.constant 0 : i32
    %c0_i32_1 = arith.constant 0 : i32
    return %c0_i32, %c0_i32_0 : i32, i32
  }
  func.func @transform_2(%arg0: i32) -> i32 {
    %c0_i32 = arith.constant 0 : i32
    %c0_i32_0 = arith.constant 0 : i32
    return %c0_i32 : i32
  }
  func.func @transform_3(%arg0: i32) -> (i32, i32, i32) {
    %c0_i32 = arith.constant 0 : i32
    %c0_i32_0 = arith.constant 0 : i32
    %c0_i32_1 = arith.constant 0 : i32
    return %arg0, %c0_i32, %c0_i32_0 : i32, i32, i32
  }
}

module attributes {stable_mosaic.version = 14 : i64} {
  func.func @_stitch_body(%arg0: i32, %arg1: memref<4x2304x1024xf32, #tpu.memory_space<any>>, %arg2: memref<2x256x1024xf32, #tpu.memory_space<vmem>>, %arg3: memref<2x256x1024xf32, #tpu.memory_space<vmem>>) attributes {dimension_semantics = [#tpu.dimension_semantics<arbitrary>], iteration_bounds = array<i64: 2>, scalar_prefetch = 0 : i64, scratch_operands = 0 : i64, tpu.core_type = #tpu.core_type<tc>, window_params = [{}, {transform_indices = @transform_1, window_bounds = array<i64: 2, 256, 1024>}, {transform_indices = @transform_2, window_bounds = array<i64: 2, 256, 1024>}]} {
    %get3A = arith.constant 0 : index
    %get3A_0 = arith.constant 0 : index
    %get3A_1 = arith.constant 0 : index
    %get3A_2 = vector.load %arg2[%get3A, %get3A_0, %get3A_1] : memref<2x256x1024xf32, #tpu.memory_space<vmem>>, vector<2x256x1024xf32>
    %swap3A = arith.constant 0 : index
    %swap3A_3 = arith.constant 0 : index
    %swap3A_4 = arith.constant 0 : index
    %swap3A_5 = vector.load %arg3[%swap3A, %swap3A_3, %swap3A_4] : memref<2x256x1024xf32, #tpu.memory_space<vmem>>, vector<2x256x1024xf32>
    tpu.vector_store %arg3[%swap3A, %swap3A_3, %swap3A_4], %get3A_2 {strides = array<i32>} : memref<2x256x1024xf32, #tpu.memory_space<vmem>>, vector<2x256x1024xf32>,
    return
  }
  func.func @transform_1(%arg0: i32) -> (i32, i32, i32) {
    %c0_i32 = arith.constant 0 : i32
    %c0_i32_0 = arith.constant 0 : i32
    %c0_i32_1 = arith.constant 0 : i32
    return %arg0, %c0_i32, %c0_i32_0 : i32, i32, i32
  }
  func.func @transform_2(%arg0: i32) -> (i32, i32, i32) {
    %c0_i32 = arith.constant 0 : i32
    %c0_i32_0 = arith.constant 0 : i32
    %c0_i32_1 = arith.constant 0 : i32
    return %arg0, %c0_i32, %c0_i32_0 : i32, i32, i32
  }
}

</mosaic_0001>

<sc_bundles>
// kernel: kernel.5.cloned.1.call-start
scs
__scs_entry_jumppad:
0x0: {  	(pc) =	sbr.rel $0x88, $3  }
0x1: {  	(tag) =	ssettag $0x0;
	lr =	simm.s32 $0x1  }
0x2: {  	[smem:$0x3F9C] =	sst lr;
	_ =	strace $0xD0000000  }
0x3: {  	_ = 	snop  }
0x4: {  	_ = 	snop  }
0x5: {  	_ = 	snop  }
0x6: {  	_ = 	snop  }
0x7: {  	_ = 	snop  }
__scs_overlays_trampoline_lowered:
0x8: {  	[smem:$0x3FAB] =	sst s0  }
0x9: {  	[smem:$0x3FAC] =	sst s1  }
0xa: {  	[smem:$0x3FAD] =	sst s2  }
0xb: {  	[smem:$0x3FAE] =	sst s3  }
0xc: {  	[smem:$0x3FAF] =	sst s4  }
0xd: {  	[smem:$0x3FB0] =	sst s5  }
0xe: {  	[smem:$0x3FB1] =	sst s6  }
0xf: {  	[smem:$0x3FB2] =	sst s7  }
0x10: {  	[smem:$0x3FB3] =	sst s8  }
0x11: {  	[smem:$0x3FB4] =	sst s9;
	s0 =	simm.s32 @!p0 $0x0  }
0x12: {  	s1 =	sld [smem:$0x3F9A];
	s0 =	simm.s32 @p0 $0x1  }
0x13: {  	[smem:$0x3FB5] =	sst s0;
	s0 =	simm.s32 @!p1 $0x0  }
0x14: {  	s2 =	sld [smem:$0x3F99];
	s0 =	simm.s32 @p1 $0x1  }
0x15: {  	[smem:$0x3FB6] =	sst s0;
	s0 =	simm.s32 @!p2 $0x0  }
0x16: {  	s3 =	sld [smem:$0x3FDB];
	s0 =	simm.s32 @p2 $0x1  }
0x17: {  	s4 =	simm.s32 $0x1BF5;
	[smem:$0x3FB8] =	sst s0  }
0x18: {  	s0 =	sld [smem:$0x3F9B];
	_ =	swait.ge [sflag:s4], $0x0  }
0x19: {  	s7 =	sld [smem:$0x3F9C]  }
0x1a: {  	s8 =	sadd.s32 $0xFFFFE003, lr  }
0x1b: {  	s9 =	sadd.s32 $0xFFFFFEF7, lr;
	s5 =	simm.s32 $0xFFFFFFFF;
	p2 =	slt.u32 s8, $0xFFFFF086  }
0x1c: {  	p1 =	slt.u32 s9, $0xF7A;
	s5 =	simm.s32 @!p2 $0x0  }
0x1d: {  	s5 =	simm.s32 @p1 $0x1;
	p0 =	seq.s32 s7, s2  }
0x1e: {  	s7 =	smul.u32 @!p0 $0xF7A, s2;
	p2 =	seq.s32 @!p0 s5, $0x0  }
0x1f: {  	s9 =	smul.u32 $0xF7A, s1;
	s8 =	simm.s32 @!p0 $0x1BF5;
	p2 =	por !p2, p0  }
0x20: {  	[sflag:s8] =	ssyncset.s32 @!p0 $0xFFFFF086;
	s6 =	sadd.s32 @!p0 s3, s7;
	s7 =	simm.s32 @!p0 $0x108  }
0x21: {  	s3 =	sadd.s32 s3, s9;
	s6 =	sadd.s32 @!p0 $0x88, s6;
	s7 =	simm.s32 @p2 $0x1082  }
0x22: {  	[simem:s7], [sflag:s8] =	dma.local @!p0 [hbm:s6], $0xF7A  }
0x23: {  	s9 =	sor.u32 $0xD0000000, s2;
	s6 =	simm.s32 $0x108;
	_ =	swait.ge @!p0 [sflag:s8], $0x0  }
0x24: {  	s3 =	sadd.s32 $0x88, s3;
	s6 =	simm.s32 @!p1 $0x1082;
	[sflag:s4] =	ssyncset.s32 $0xFFFFF086  }
0x25: {  	[simem:s6], [sflag:s4] =	dma.local [hbm:s3], $0xF7A  }
0x26: {  	[smem:$0x3F9C] =	sst s1;
	(tag) =	ssettag s2;
	_ =	strace s9  }
0x27: {  	s1 =	sld [smem:$0x3FAC]  }
0x28: {  	s2 =	sld [smem:$0x3FAD]  }
0x29: {  	s4 =	sld [smem:$0x3FAF]  }
0x2a: {  	p0 =	seq.s32 s5, $0x0;
	s5 =	sld [smem:$0x3FB0]  }
0x2b: {  	s6 =	sld [smem:$0x3FB1]  }
0x2c: {  	s7 =	sld [smem:$0x3FB2]  }
0x2d: {  	s3 =	simm.s32 $0x108;
	s8 =	sld [smem:$0x3FB3]  }
0x2e: {  	s3 =	simm.s32 @!p0 $0x1082;
	s9 =	sld [smem:$0x3FB4]  }
0x2f: {  	lr =	sadd.s32 s0, s3;
	s0 =	sld [smem:$0x3FAB]  }
0x30: {  	s3 =	sld [smem:$0x3FAE]  }
0x31: {  	[smem:$0x3FB7] =	sst s10  }
0x32: {  	s10 =	sld [smem:$0x3FB5];
	_ =	sdelay $0x3  }
0x33: {  	p0 =	seq.s32 s10, $0x1;
	s10 =	sld [smem:$0x3FB7];
	_ =	sdelay $0x3  }
0x34: {  	[smem:$0x3FB7] =	sst s10  }
0x35: {  	s10 =	sld [smem:$0x3FB6];
	_ =	sdelay $0x3  }
0x36: {  	p1 =	seq.s32 s10, $0x1;
	s10 =	sld [smem:$0x3FB7];
	_ =	sdelay $0x3  }
0x37: {  	[smem:$0x3FB7] =	sst s10  }
0x38: {  	s10 =	sld [smem:$0x3FB8]  }
0x39: {  	_ = 	snop;
	(pc) =	sbr.ind lr, $3  }
0x3a: {  	_ = 	snop  }
0x3b: {  	_ = 	snop  }
0x3c: {  	p2 =	seq.s32 s10, $0x1;
	s10 =	sld [smem:$0x3FB7]  }
0x3d: {  	_ =	shalt  }
0x3e: {  	_ =	shalt  }
0x3f: {  	_ =	shalt  }
0x40: {  	_ =	shalt  }
0x41: {  	_ =	shalt  }
0x42: {  	_ =	shalt  }
0x43: {  	_ =	shalt  }
0x44: {  	_ =	shalt  }
0x45: {  	_ =	shalt  }
0x46: {  	_ =	shalt  }
0x47: {  	_ =	shalt  }
0x48: {  	_ =	shalt  }
0x49: {  	_ =	shalt  }
0x4a: {  	_ =	shalt  }
0x4b: {  	_ =	shalt  }
0x4c: {  	_ =	shalt  }
0x4d: {  	_ =	shalt  }
0x4e: {  	_ =	shalt  }
0x4f: {  	_ =	shalt  }
0x50: {  	_ =	shalt  }
0x51: {  	_ =	shalt  }
0x52: {  	_ =	shalt  }
0x53: {  	_ =	shalt  }
0x54: {  	_ =	shalt  }
0x55: {  	_ =	shalt  }
0x56: {  	_ =	shalt  }
0x57: {  	_ =	shalt  }
0x58: {  	_ =	shalt  }
0x59: {  	_ =	shalt  }
0x5a: {  	_ =	shalt  }
0x5b: {  	_ =	shalt  }
0x5c: {  	_ =	shalt  }
0x5d: {  	_ =	shalt  }
0x5e: {  	_ =	shalt  }
0x5f: {  	_ =	shalt  }
0x60: {  	_ =	shalt  }
0x61: {  	_ =	shalt  }
0x62: {  	_ =	shalt  }
0x63: {  	_ =	shalt  }
0x64: {  	_ =	shalt  }
0x65: {  	_ =	shalt  }
0x66: {  	_ =	shalt  }
0x67: {  	_ =	shalt  }
0x68: {  	_ =	shalt  }
0x69: {  	_ =	shalt  }
0x6a: {  	_ =	shalt  }
0x6b: {  	_ =	shalt  }
0x6c: {  	_ =	shalt  }
0x6d: {  	_ =	shalt  }
0x6e: {  	_ =	shalt  }
0x6f: {  	_ =	shalt  }
0x70: {  	_ =	shalt  }
0x71: {  	_ =	shalt  }
0x72: {  	_ =	shalt  }
0x73: {  	_ =	shalt  }
0x74: {  	_ =	shalt  }
0x75: {  	_ =	shalt  }
0x76: {  	_ =	shalt  }
0x77: {  	_ =	shalt  }
0x78: {  	_ =	shalt  }
0x79: {  	_ =	shalt  }
0x7a: {  	_ =	shalt  }
0x7b: {  	_ =	shalt  }
0x7c: {  	_ =	shalt  }
0x7d: {  	_ =	shalt  }
0x7e: {  	_ =	shalt  }
0x7f: {  	_ =	shalt  }
0x80: {  	_ =	shalt  }
0x81: {  	_ =	shalt  }
0x82: {  	_ =	shalt  }
0x83: {  	_ =	shalt  }
0x84: {  	_ =	shalt  }
0x85: {  	_ =	shalt  }
0x86: {  	_ =	shalt  }
0x87: {  	_ =	shalt  }
.Lfunc_end0:
.L_simem_size_0:
called_computation_lowered:
.L_overlay_start_0:
0x88: {  	s2 =	sld [smem:$0x3FD9]  }
0x89: {  	s3 =	sld [smem:$0x3FFE];
	_ =	sdelay $0x1  }
0x8a: {  	s1 =	srdreg.scid  }
0x8b: {  	s0 =	sand.u32 $0x1, s1  }
0x8c: {  	s18 =	sshll.u32 s0, $0xA;
	s2 =	sadd.s32 s3, s2  }
0x8d: {  	s2 =	sadd.s32 s2, s18  }
0x8e: {  	[smem:$0x3FC3] =	sst s2  }
0x8f: {  	_ = 	snop  }
0x90: {  	s2 =	sld [smem:$0x3FC9]  }
0x91: {  	s19 =	sld [smem:$0x3FC5]  }
0x92: {  	s4 =	sld [smem:$0x3FD0];
	(tm) =	ssettm $0x1  }
0x93: {  	s5 =	sld [smem:$0x3FFB];
	_ =	sdelay $0x3  }
0x94: {  	_ =	strace s5  }
0x95: {  	s5 =	sld [smem:$0x3FFC];
	_ =	sdelay $0x3  }
0x96: {  	_ =	strace s5  }
0x97: {  	s5 =	sld [smem:$0x3FFD];
	_ =	sdelay $0x3  }
0x98: {  	_ =	strace s5  }
0x99: {  	_ =	strace $0x8FFFFFFF  }
0x9a: {  	s20 =	sld [smem:$0x3FDB];
	_ =	sdelay $0x1  }
0x9b: {  	s6 =	simm.s32 $_scs_section_size  }
0x9c: {  	s7 =	simm.s32 $_size__tile_overlayer_lowered;
	s8 =	simm.s32 $_tile_overlayer_lowered  }
0x9d: {  	s23 =	simm.s32 $0x1BFF;
	s22 =	sshll.u32 s8, $0x1;
	s5 =	sadd.s32 s6, s20  }
0x9e: {  	s9 =	simm.s32 $0x0;
	s21 =	sshll.u32 s7, $0x1;
	s7 =	sadd.s32 s22, s5  }
0x9f: {  	[timem:s9], [sflag:s23] =	dma.local [hbm:s7], s21  }
0xa0: {  	_ =	swait.ge [sflag:s23], s21  }
0xa1: {  	s6 =	ssub.s32 $0x0, s21;
	[sflag:s23] =	ssyncset.done $0x0  }
0xa2: {  	[sflag:s23] =	ssyncadd.s32 s6;
	_ =	sdelay $0x1  }
0xa3: {  	s24 =	simm.s32 $0x1B8B  }
0xa4: {  	_ =	swait.ge [sflag:s24], $0x1  }
0xa5: {  	[sflag:s24] =	ssyncset.done $0x0  }
0xa6: {  	s25 =	simm.s32 $0x1B8E;
	[sflag:s24] =	ssyncadd.s32 $0xFFFFFFFF  }
0xa7: {  	s26 =	simm.s32 $execute0_lowered;
	[smem:$0x3FD2] =	sst s25  }
0xa8: {  	s6 =	sshll.u32 s26, $0x1;
	_ =	strace $0x80000046;
	[dreg:$0x1] =	wrdreg $0xFFFFFFFF  }
0xa9: {  	s28 =	simm.s32 $_size_execute0_lowered;
	s5 =	sadd.s32 s5, s6;
	[dreg:$0x0] =	wrdreg $0x0  }
0xaa: {  	s6 =	sshll.u32 s28, $0x1;
	[dreg:$0x2] =	wrdreg s5  }
0xab: {  	[dreg:$0x3] =	wrdreg s6  }
0xac: {  	[dreg:$0x4] =	wrdreg $0xC0  }
0xad: {  	_ =	task [dreg:s9], $0x5FFFF  }
0xae: {  	[dreg:$0x1] =	wrdreg $0xFFFFFFFF  }
0xaf: {  	[dreg:$0x0] =	wrdreg $0x60  }
0xb0: {  	[dreg:$0x2] =	wrdreg s2  }
0xb1: {  	[dreg:$0x3] =	wrdreg s19  }
0xb2: {  	[dreg:$0x4] =	wrdreg s4  }
0xb3: {  	[dreg:$0x5] =	wrdreg $0x9  }
0xb4: {  	_ =	task.clear_ibuf [dreg:s9], $0x6FFFF;
	_ =	strace $0x90000046  }
0xb5: {  	s29 =	simm.s32 $0x9;
	_ =	strace $0x80000048  }
0xb6: {  	_ =	swait.ge [sflag:s29], $0x1  }
0xb7: {  	[sflag:s29] =	ssyncadd.s32 $0xFFFFFFFF  }
0xb8: {  	_ =	strace $0x90000048  }
0xb9: {  	_ =	sfence  }
0xba: {  	s30 =	sld [smem:$0x0];
	_ =	sdelay $0x2  }
0xbb: {  	s31 =	sshll.u32 s1, $0xD;
	s1 =	sshrl.u32 s1, $0x2  }
0xbc: {  	s3 =	sand.u32 $0x4000, s31;
	s1 =	sadd.s32 s1, s30  }
0xbd: {  	s0 =	sor.u32 s3, s0;
	s1 =	sshll.u32 s1, $0x11  }
0xbe: {  	s0 =	sor.u32 s1, s0  }
0xbf: {  	s0 =	sadd.s32 $0x8F2B, s0  }
0xc0: {  	[sflag:s0] =	ssyncadd.remote.s32 $0x1  }
0xc1: {  	_ =	sfence.sel $0xFFFF  }
0xc2: {  	[dreg:$0x0] =	wrdreg $0xFFFFFFFF;
	(pc) =	sbr.abs _section_cstart, $3  }
0xc3: {  	[dreg:$0x1] =	wrdreg $0xFFFFFFFF  }
0xc4: {  	_ =	task.clear_ibuf [dreg:s9], $0x2FFFF;
	_ =	strace $0x9FFFFFFF  }
0xc5: {  	(tm) =	ssettm $0x7FFFFFFF  }
tec
execute0_lowered:
.L_overlay_start_1:
0x0: {  	(tag) =	ssettag $0x1  }
0x1: {  	s0 =	rddreg [dreg:$0x0]  }
0x2: {  	s4 =	stileid.u32;
	s1 =	rddreg [dreg:$0x1]  }
0x3: {  	s2 =	srdreg.scid;
	s5 =	rddreg [dreg:$0x2];
	s28 =	simm.s32 $0x80  }
0x4: {  	s29 =	simm.s32 $0x200;
	s30 =	simm.s32 $0x1;
	s15 =	simm.s32 $0x9100  }
0x5: {  	s10 =	simm.s32 $0xA900;
	s9 =	simm.s32 $0xB100;
	s11 =	simm.s32 $0xB900  }
0x6: {  	s12 =	simm.s32 $0xC100;
	s13 =	simm.s32 $0xC900;
	s14 =	simm.s32 $0xD100  }
0x7: {  	s16 =	simm.s32 $0xD900;
	s31 =	simm.s32 $0xE100;
	s18 =	simm.s32 $0xF900  }
0x8: {  	s3 =	sshll.u32 s4, $0x1;
	s2 =	sand.u32 $0x1, s2;
	s4 =	sshrl.u32 s4, $0x2  }
0x9: {  	s3 =	sand.u32 $0x6, s3;
	s7 =	smul.u32 $0x240000, s4;
	s4 =	sshll.u32 s4, $0x4  }
0xa: {  	s6 =	sor.u32 s2, s3;
	s3 =	simm.s32 $0x0;
	s0 =	sadd.s32 s0, s4  }
0xb: {  	s2 =	ssub.s32 $0x2, s2;
	s4 =	sadd.s32 $0x100, s1;
	s8 =	sshll.u32 s6, $0x12  }
0xc: {  	[smem:$0x7FF] =	sst s3;
	s6 =	sshll.u32 s6, $0x7;
	s22 =	sshrl.u32 s2, $0x1  }
0xd: {  	s7 =	sadd.s32 s7, s8;
	_ =	strace $0x80000047;
	s0 =	sadd.s32 s6, s0  }
0xe: {  	s2 =	ssub.s32 s2, s22;
	[dreg:$0xa] =	wrdreg s28;
	s19 =	sshrl.u32 s7, $0x3  }
0xf: {  	s6 =	sadd.s32 $0x300, s1;
	[dreg:$0xb] =	wrdreg s29;
	s20 =	sadd.s32 s5, s19  }
0x10: {  	s22 =	simm.s32 $0x11900;
	[dreg:$0x4] =	wrdreg s0;
	s21 =	sadd.s32 $0x8000, s20  }
0x11: {  	s7 =	smax.u32 s2, $0x1;
	s23 =	sadd.s32 $0x9C00, s20;
	[dreg:$0x5] =	wrdreg s21  }
0x12: {  	s5 =	sadd.s32 $0x200, s1;
	s24 =	sadd.s32 $0xB800, s20;
	[dreg:$0x6] =	wrdreg s23  }
0x13: {  	s19 =	simm.s32 $0x10100;
	s25 =	sadd.s32 $0xD400, s20;
	[dreg:$0x7] =	wrdreg s24  }
0x14: {  	v2 =	vlaneseq.u32;
	s26 =	sadd.s32 $0xF000, s20;
	s20 =	simm.s32 $0x10900;
	[dreg:$0x8] =	wrdreg s25  }
0x15: {  	vm0 =	vmmov $0xffff;
	v1 =	vshrl.u32 v2, $0x3;
	[dreg:$0x9] =	wrdreg s26;
	s26 =	simm.s32 $0x2;
	s25 =	simm.s32 $0x9900  }
0x16: {  	v0 =	vand.u32 $0x7, v2;
	v2 =	vor.u32 $0x8, v2;
	v1 =	vmul.u32 $0x8, v1;
	s21 =	simm.s32 $0x11100;
	s23 =	simm.s32 $0x12100;
	s24 =	simm.s32 $0x12900  }
.LBB2_1:
0x17: {  	s28 =	rddreg [dreg:$0x4]  }
0x18: {  	s29 =	rddreg [dreg:$0xa]  }
0x19: {  	s2 =	rddreg [dreg:$0xb];
	s0 =	simm.s32 $0x3  }
0x1a: {  	[tilespmem:s3], [sflag:$0x3] =	stream.strided.gather [hbm4b:s28+s29], $0x100, s2, s29, $0x38;
	[tilespmem:$0x1C100] =	vst v63  }
0x1b: {  	_ =	swait.ge [sflag:s0], $0x100  }
0x1c: {  	[sflag:s0] =	ssyncset.done $0x0  }
0x1d: {  	[sflag:s0] =	ssyncadd.s32 $0xFFFFFF00  }
0x1e: {  	v3 =	vld [tilespmem:$0x0];
	_ =	sdelay $0x4  }
0x1f: {  	v4 =	vshll.u32 v3, $0x3  }
0x20: {  	v3 =	vand.u32 $0x7, v3;
	v4 =	vand.u32 $0xFFFFFFC0, v4  }
0x21: {  	v3 =	vor.u32 v3, v4  }
0x22: {  	v4 =	vperm.xlane v3, v0;
	_ =	sdelay $0x1  }
0x23: {  	v4 =	vadd.s32 v1, v4;
	_ =	sdelay $0x3  }
0x24: {  	s0 =	simm.s32 $0x100  }
0x25: {  	[tilespmem:s0], [sflag:$0x1] =	stream.indirect_vreg.gather [hbm4b:s1+s3], $0x80, v4, vm0, $0xb8;
	[tilespmem:$0x1C100] =	vst v63  }
0x26: {  	s28 =	simm.s32 $0x900;
	v3 =	vperm.xlane v3, v2  }
0x27: {  	[tilespmem:s28], [sflag:$0x1] =	stream.indirect_vreg.gather [hbm4b:s4+s3], $0x80, v4, vm0, $0xb8;
	[tilespmem:$0x1C100] =	vst v63  }
0x28: {  	s29 =	simm.s32 $0x1100;
	v3 =	vadd.s32 v1, v3  }
0x29: {  	[tilespmem:s29], [sflag:$0x1] =	stream.indirect_vreg.gather [hbm4b:s5+s3], $0x80, v4, vm0, $0xb8;
	[tilespmem:$0x1C100] =	vst v63  }
0x2a: {  	s8 =	simm.s32 $0x1900  }
0x2b: {  	[tilespmem:s8], [sflag:$0x1] =	stream.indirect_vreg.gather [hbm4b:s6+s3], $0x80, v4, vm0, $0xb8;
	[tilespmem:$0x1C100] =	vst v63  }
0x2c: {  	s17 =	simm.s32 $0x2100  }
0x2d: {  	[tilespmem:s17], [sflag:$0x1] =	stream.indirect_vreg.gather [hbm4b:s1+s3], $0x80, v3, vm0, $0xb8;
	[tilespmem:$0x1C100] =	vst v63  }
0x2e: {  	s28 =	simm.s32 $0x2900  }
0x2f: {  	[tilespmem:s28], [sflag:$0x1] =	stream.indirect_vreg.gather [hbm4b:s4+s3], $0x80, v3, vm0, $0xb8;
	[tilespmem:$0x1C100] =	vst v63  }
0x30: {  	s29 =	simm.s32 $0x3100  }
0x31: {  	[tilespmem:s29], [sflag:$0x1] =	stream.indirect_vreg.gather [hbm4b:s5+s3], $0x80, v3, vm0, $0xb8;
	[tilespmem:$0x1C100] =	vst v63  }
0x32: {  	s8 =	simm.s32 $0x3900  }
0x33: {  	[tilespmem:s8], [sflag:$0x1] =	stream.indirect_vreg.gather [hbm4b:s6+s3], $0x80, v3, vm0, $0xb8;
	[tilespmem:$0x1C100] =	vst v63  }
0x34: {  	v3 =	vld [tilespmem:$0x10];
	_ =	sdelay $0x4  }
0x35: {  	v47 =	vshll.u32 v3, $0x3  }
0x36: {  	v3 =	vand.u32 $0x7, v3;
	v4 =	vand.u32 $0xFFFFFFC0, v47  }
0x37: {  	v3 =	vor.u32 v3, v4  }
0x38: {  	v4 =	vperm.xlane v3, v0;
	_ =	sdelay $0x1  }
0x39: {  	v4 =	vadd.s32 v1, v4;
	_ =	sdelay $0x3  }
0x3a: {  	s17 =	simm.s32 $0x4100  }
0x3b: {  	[tilespmem:s17], [sflag:$0x1] =	stream.indirect_vreg.gather [hbm4b:s1+s3], $0x80, v4, vm0, $0xb8;
	[tilespmem:$0x1C100] =	vst v63  }
0x3c: {  	s28 =	simm.s32 $0x4900;
	v3 =	vperm.xlane v3, v2  }
0x3d: {  	[tilespmem:s28], [sflag:$0x1] =	stream.indirect_vreg.gather [hbm4b:s4+s3], $0x80, v4, vm0, $0xb8;
	[tilespmem:$0x1C100] =	vst v63  }
0x3e: {  	s29 =	simm.s32 $0x5100;
	v3 =	vadd.s32 v1, v3  }
0x3f: {  	[tilespmem:s29], [sflag:$0x1] =	stream.indirect_vreg.gather [hbm4b:s5+s3], $0x80, v4, vm0, $0xb8;
	[tilespmem:$0x1C100] =	vst v63  }
0x40: {  	s8 =	simm.s32 $0x5900  }
0x41: {  	[tilespmem:s8], [sflag:$0x1] =	stream.indirect_vreg.gather [hbm4b:s6+s3], $0x80, v4, vm0, $0xb8;
	[tilespmem:$0x1C100] =	vst v63  }
0x42: {  	s17 =	simm.s32 $0x6100  }
0x43: {  	[tilespmem:s17], [sflag:$0x1] =	stream.indirect_vreg.gather [hbm4b:s1+s3], $0x80, v3, vm0, $0xb8;
	[tilespmem:$0x1C100] =	vst v63  }
0x44: {  	s28 =	simm.s32 $0x6900  }
0x45: {  	[tilespmem:s28], [sflag:$0x1] =	stream.indirect_vreg.gather [hbm4b:s4+s3], $0x80, v3, vm0, $0xb8;
	[tilespmem:$0x1C100] =	vst v63  }
0x46: {  	s29 =	simm.s32 $0x7100  }
0x47: {  	[tilespmem:s29], [sflag:$0x1] =	stream.indirect_vreg.gather [hbm4b:s5+s3], $0x80, v3, vm0, $0xb8;
	[tilespmem:$0x1C100] =	vst v63  }
0x48: {  	s8 =	simm.s32 $0x7900  }
0x49: {  	[tilespmem:s8], [sflag:$0x1] =	stream.indirect_vreg.gather [hbm4b:s6+s3], $0x80, v3, vm0, $0xb8;
	[tilespmem:$0x1C100] =	vst v63  }
0x4a: {  	v3 =	vld [tilespmem:$0x20];
	_ =	sdelay $0x4  }
0x4b: {  	v48 =	vshll.u32 v3, $0x3  }
0x4c: {  	v3 =	vand.u32 $0x7, v3;
	v4 =	vand.u32 $0xFFFFFFC0, v48  }
0x4d: {  	v3 =	vor.u32 v3, v4  }
0x4e: {  	v4 =	vperm.xlane v3, v0;
	_ =	sdelay $0x1  }
0x4f: {  	v4 =	vadd.s32 v1, v4;
	_ =	sdelay $0x3  }
0x50: {  	s28 =	simm.s32 $0x8100  }
0x51: {  	[tilespmem:s28], [sflag:$0x1] =	stream.indirect_vreg.gather [hbm4b:s1+s3], $0x80, v4, vm0, $0xb8;
	[tilespmem:$0x1C100] =	vst v63  }
0x52: {  	s29 =	simm.s32 $0x8900;
	v3 =	vperm.xlane v3, v2  }
0x53: {  	[tilespmem:s29], [sflag:$0x1] =	stream.indirect_vreg.gather [hbm4b:s4+s3], $0x80, v4, vm0, $0xb8;
	[tilespmem:$0x1C100] =	vst v63  }
0x54: {  	v3 =	vadd.s32 v1, v3  }
0x55: {  	[tilespmem:s15], [sflag:$0x1] =	stream.indirect_vreg.gather [hbm4b:s5+s3], $0x80, v4, vm0, $0xb8;
	[tilespmem:$0x1C100] =	vst v63  }
0x56: {  	_ = 	snop  }
0x57: {  	[tilespmem:s25], [sflag:$0x1] =	stream.indirect_vreg.gather [hbm4b:s6+s3], $0x80, v4, vm0, $0xb8;
	[tilespmem:$0x1C100] =	vst v63  }
0x58: {  	s8 =	simm.s32 $0xA100  }
0x59: {  	[tilespmem:s8], [sflag:$0x1] =	stream.indirect_vreg.gather [hbm4b:s1+s3], $0x80, v3, vm0, $0xb8;
	[tilespmem:$0x1C100] =	vst v63  }
0x5a: {  	_ = 	snop  }
0x5b: {  	[tilespmem:s10], [sflag:$0x1] =	stream.indirect_vreg.gather [hbm4b:s4+s3], $0x80, v3, vm0, $0xb8;
	[tilespmem:$0x1C100] =	vst v63  }
0x5c: {  	_ = 	snop  }
0x5d: {  	[tilespmem:s9], [sflag:$0x1] =	stream.indirect_vreg.gather [hbm4b:s5+s3], $0x80, v3, vm0, $0xb8;
	[tilespmem:$0x1C100] =	vst v63  }
0x5e: {  	_ = 	snop  }
0x5f: {  	[tilespmem:s11], [sflag:$0x1] =	stream.indirect_vreg.gather [hbm4b:s6+s3], $0x80, v3, vm0, $0xb8;
	[tilespmem:$0x1C100] =	vst v63  }
0x60: {  	v3 =	vld.msk [tilespmem:$0x30], $0xff;
	_ =	sdelay $0x4  }
0x61: {  	v49 =	vshll.u32 v3, $0x3  }
0x62: {  	v3 =	vand.u32 $0x7, v3;
	v4 =	vand.u32 $0xFFFFFFC0, v49  }
0x63: {  	v3 =	vor.u32 v3, v4  }
0x64: {  	v3 =	vperm.xlane v3, v0;
	_ =	sdelay $0x1  }
0x65: {  	v3 =	vadd.s32 v1, v3;
	_ =	sdelay $0x4  }
0x66: {  	[tilespmem:s12], [sflag:$0x1] =	stream.indirect_vreg.gather [hbm4b:s1+s3], $0x80, v3, vm0, $0xb8;
	[tilespmem:$0x1C100] =	vst v63  }
0x67: {  	_ = 	snop  }
0x68: {  	[tilespmem:s13], [sflag:$0x1] =	stream.indirect_vreg.gather [hbm4b:s4+s3], $0x80, v3, vm0, $0xb8;
	[tilespmem:$0x1C100] =	vst v63  }
0x69: {  	_ = 	snop  }
0x6a: {  	[tilespmem:s14], [sflag:$0x1] =	stream.indirect_vreg.gather [hbm4b:s5+s3], $0x80, v3, vm0, $0xb8;
	[tilespmem:$0x1C100] =	vst v63  }
0x6b: {  	_ = 	snop  }
0x6c: {  	[tilespmem:s16], [sflag:$0x1] =	stream.indirect_vreg.gather [hbm4b:s6+s3], $0x80, v3, vm0, $0xb8;
	[tilespmem:$0x1C100] =	vst v63  }
0x6d: {  	_ =	swait.ge [sflag:s30], $0xE000  }
0x6e: {  	[sflag:s30] =	ssyncset.done $0x0  }
0x6f: {  	[sflag:s30] =	ssyncadd.s32 $0xFFFF2000  }
0x70: {  	v3 =	vld [tilespmem:$0x38];
	_ =	sdelay $0x4  }
0x71: {  	v50 =	vshll.u32 v3, $0x3  }
0x72: {  	v3 =	vand.u32 $0x7, v3;
	v4 =	vand.u32 $0xFFFFFFC0, v50  }
0x73: {  	v3 =	vor.u32 v3, v4  }
0x74: {  	v4 =	vperm.xlane v3, v0;
	_ =	sdelay $0x1  }
0x75: {  	v4 =	vadd.s32 v1, v4;
	_ =	sdelay $0x4  }
0x76: {  	[tilespmem:s31], [sflag:$0x1] =	stream.indirect_vreg.gather [hbm4b:s1+s3], $0x80, v4, vm0, $0xb8;
	[tilespmem:$0x1C100] =	vst v63  }
0x77: {  	s17 =	simm.s32 $0xE900;
	v3 =	vperm.xlane v3, v2  }
0x78: {  	[tilespmem:s17], [sflag:$0x1] =	stream.indirect_vreg.gather [hbm4b:s4+s3], $0x80, v4, vm0, $0xb8;
	[tilespmem:$0x1C100] =	vst v63  }
0x79: {  	v3 =	vadd.s32 v1, v3;
	s17 =	simm.s32 $0xF100  }
0x7a: {  	[tilespmem:s17], [sflag:$0x1] =	stream.indirect_vreg.gather [hbm4b:s5+s3], $0x80, v4, vm0, $0xb8;
	[tilespmem:$0x1C100] =	vst v63  }
0x7b: {  	_ = 	snop  }
0x7c: {  	[tilespmem:s18], [sflag:$0x1] =	stream.indirect_vreg.gather [hbm4b:s6+s3], $0x80, v4, vm0, $0xb8;
	[tilespmem:$0x1C100] =	vst v63  }
0x7d: {  	_ = 	snop  }
0x7e: {  	[tilespmem:s19], [sflag:$0x1] =	stream.indirect_vreg.gather [hbm4b:s1+s3], $0x80, v3, vm0, $0xb8;
	[tilespmem:$0x1C100] =	vst v63  }
0x7f: {  	_ = 	snop  }
0x80: {  	[tilespmem:s20], [sflag:$0x1] =	stream.indirect_vreg.gather [hbm4b:s4+s3], $0x80, v3, vm0, $0xb8;
	[tilespmem:$0x1C100] =	vst v63  }
0x81: {  	_ = 	snop  }
0x82: {  	[tilespmem:s21], [sflag:$0x1] =	stream.indirect_vreg.gather [hbm4b:s5+s3], $0x80, v3, vm0, $0xb8;
	[tilespmem:$0x1C100] =	vst v63  }
0x83: {  	_ = 	snop  }
0x84: {  	[tilespmem:s22], [sflag:$0x1] =	stream.indirect_vreg.gather [hbm4b:s6+s3], $0x80, v3, vm0, $0xb8;
	[tilespmem:$0x1C100] =	vst v63  }
0x85: {  	v3 =	vld [tilespmem:$0x48];
	_ =	sdelay $0x4  }
0x86: {  	v51 =	vshll.u32 v3, $0x3  }
0x87: {  	v3 =	vand.u32 $0x7, v3;
	v4 =	vand.u32 $0xFFFFFFC0, v51  }
0x88: {  	v3 =	vor.u32 v3, v4  }
0x89: {  	v4 =	vperm.xlane v3, v0;
	_ =	sdelay $0x1  }
0x8a: {  	v4 =	vadd.s32 v1, v4;
	_ =	sdelay $0x4  }
0x8b: {  	[tilespmem:s23], [sflag:$0x1] =	stream.indirect_vreg.gather [hbm4b:s1+s3], $0x80, v4, vm0, $0xb8;
	[tilespmem:$0x1C100] =	vst v63  }
0x8c: {  	v3 =	vperm.xlane v3, v2  }
0x8d: {  	[tilespmem:s24], [sflag:$0x1] =	stream.indirect_vreg.gather [hbm4b:s4+s3], $0x80, v4, vm0, $0xb8;
	[tilespmem:$0x1C100] =	vst v63  }
0x8e: {  	s17 =	simm.s32 $0x13100;
	v3 =	vadd.s32 v1, v3  }
0x8f: {  	[tilespmem:s17], [sflag:$0x1] =	stream.indirect_vreg.gather [hbm4b:s5+s3], $0x80, v4, vm0, $0xb8;
	[tilespmem:$0x1C100] =	vst v63  }
0x90: {  	s17 =	simm.s32 $0x13900  }
0x91: {  	[tilespmem:s17], [sflag:$0x1] =	stream.indirect_vreg.gather [hbm4b:s6+s3], $0x80, v4, vm0, $0xb8;
	[tilespmem:$0x1C100] =	vst v63  }
0x92: {  	s17 =	simm.s32 $0x14100  }
0x93: {  	[tilespmem:s17], [sflag:$0x1] =	stream.indirect_vreg.gather [hbm4b:s1+s3], $0x80, v3, vm0, $0xb8;
	[tilespmem:$0x1C100] =	vst v63  }
0x94: {  	s17 =	simm.s32 $0x14900  }
0x95: {  	[tilespmem:s17], [sflag:$0x1] =	stream.indirect_vreg.gather [hbm4b:s4+s3], $0x80, v3, vm0, $0xb8;
	[tilespmem:$0x1C100] =	vst v63  }
0x96: {  	s17 =	simm.s32 $0x15100  }
0x97: {  	[tilespmem:s17], [sflag:$0x1] =	stream.indirect_vreg.gather [hbm4b:s5+s3], $0x80, v3, vm0, $0xb8;
	[tilespmem:$0x1C100] =	vst v63  }
0x98: {  	s17 =	simm.s32 $0x15900  }
0x99: {  	[tilespmem:s17], [sflag:$0x1] =	stream.indirect_vreg.gather [hbm4b:s6+s3], $0x80, v3, vm0, $0xb8;
	[tilespmem:$0x1C100] =	vst v63  }
0x9a: {  	v3 =	vld [tilespmem:$0x58];
	_ =	sdelay $0x4  }
0x9b: {  	v52 =	vshll.u32 v3, $0x3  }
0x9c: {  	v3 =	vand.u32 $0x7, v3;
	v4 =	vand.u32 $0xFFFFFFC0, v52  }
0x9d: {  	v3 =	vor.u32 v3, v4  }
0x9e: {  	v4 =	vperm.xlane v3, v0;
	_ =	sdelay $0x1  }
0x9f: {  	v4 =	vadd.s32 v1, v4;
	_ =	sdelay $0x3  }
0xa0: {  	s17 =	simm.s32 $0x16100  }
0xa1: {  	[tilespmem:s17], [sflag:$0x1] =	stream.indirect_vreg.gather [hbm4b:s1+s3], $0x80, v4, vm0, $0xb8;
	[tilespmem:$0x1C100] =	vst v63  }
0xa2: {  	v3 =	vperm.xlane v3, v2;
	s17 =	simm.s32 $0x16900  }
0xa3: {  	[tilespmem:s17], [sflag:$0x1] =	stream.indirect_vreg.gather [hbm4b:s4+s3], $0x80, v4, vm0, $0xb8;
	[tilespmem:$0x1C100] =	vst v63  }
0xa4: {  	v3 =	vadd.s32 v1, v3;
	s17 =	simm.s32 $0x17100  }
0xa5: {  	[tilespmem:s17], [sflag:$0x1] =	stream.indirect_vreg.gather [hbm4b:s5+s3], $0x80, v4, vm0, $0xb8;
	[tilespmem:$0x1C100] =	vst v63  }
0xa6: {  	s17 =	simm.s32 $0x17900  }
0xa7: {  	[tilespmem:s17], [sflag:$0x1] =	stream.indirect_vreg.gather [hbm4b:s6+s3], $0x80, v4, vm0, $0xb8;
	[tilespmem:$0x1C100] =	vst v63  }
0xa8: {  	s17 =	simm.s32 $0x18100  }
0xa9: {  	[tilespmem:s17], [sflag:$0x1] =	stream.indirect_vreg.gather [hbm4b:s1+s3], $0x80, v3, vm0, $0xb8;
	[tilespmem:$0x1C100] =	vst v63  }
0xaa: {  	s17 =	simm.s32 $0x18900  }
0xab: {  	[tilespmem:s17], [sflag:$0x1] =	stream.indirect_vreg.gather [hbm4b:s4+s3], $0x80, v3, vm0, $0xb8;
	[tilespmem:$0x1C100] =	vst v63  }
0xac: {  	s17 =	simm.s32 $0x19100  }
0xad: {  	[tilespmem:s17], [sflag:$0x1] =	stream.indirect_vreg.gather [hbm4b:s5+s3], $0x80, v3, vm0, $0xb8;
	[tilespmem:$0x1C100] =	vst v63  }
0xae: {  	s17 =	simm.s32 $0x19900  }
0xaf: {  	[tilespmem:s17], [sflag:$0x1] =	stream.indirect_vreg.gather [hbm4b:s6+s3], $0x80, v3, vm0, $0xb8;
	[tilespmem:$0x1C100] =	vst v63  }
0xb0: {  	v3 =	vld.msk [tilespmem:$0x68], $0xff;
	_ =	sdelay $0x4  }
0xb1: {  	v53 =	vshll.u32 v3, $0x3  }
0xb2: {  	v3 =	vand.u32 $0x7, v3;
	v4 =	vand.u32 $0xFFFFFFC0, v53  }
0xb3: {  	v3 =	vor.u32 v3, v4  }
0xb4: {  	v3 =	vperm.xlane v3, v0;
	_ =	sdelay $0x1  }
0xb5: {  	v3 =	vadd.s32 v1, v3;
	_ =	sdelay $0x3  }
0xb6: {  	s17 =	simm.s32 $0x1A100  }
0xb7: {  	[tilespmem:s17], [sflag:$0x1] =	stream.indirect_vreg.gather [hbm4b:s1+s3], $0x80, v3, vm0, $0xb8;
	[tilespmem:$0x1C100] =	vst v63  }
0xb8: {  	s17 =	simm.s32 $0x1A900  }
0xb9: {  	[tilespmem:s17], [sflag:$0x1] =	stream.indirect_vreg.gather [hbm4b:s4+s3], $0x80, v3, vm0, $0xb8;
	[tilespmem:$0x1C100] =	vst v63  }
0xba: {  	s17 =	simm.s32 $0x1B100  }
0xbb: {  	[tilespmem:s17], [sflag:$0x1] =	stream.indirect_vreg.gather [hbm4b:s5+s3], $0x80, v3, vm0, $0xb8;
	[tilespmem:$0x1C100] =	vst v63  }
0xbc: {  	s17 =	simm.s32 $0x1B900  }
0xbd: {  	[tilespmem:s17], [sflag:$0x1] =	stream.indirect_vreg.gather [hbm4b:s6+s3], $0x80, v3, vm0, $0xb8;
	[tilespmem:$0x1C100] =	vst v63  }
0xbe: {  	s2 =	rddreg [dreg:$0x5]  }
0xbf: {  	[hbm4b:s2+s3] =	stream.linear.scatter [tilespmem:s0], [sflag:$0x2], $0xE000, $0x38;
	[tilespmem:$0x1C100] =	vst v63  }
0xc0: {  	_ =	swait.ge [sflag:s30], $0xE000  }
0xc1: {  	[sflag:s30] =	ssyncset.done $0x0  }
0xc2: {  	[sflag:s30] =	ssyncadd.s32 $0xFFFF2000  }
0xc3: {  	_ =	swait.ge [sflag:s26], $0xE000  }
0xc4: {  	[sflag:s26] =	ssyncset.done $0x0  }
0xc5: {  	[sflag:s26] =	ssyncadd.s32 $0xFFFF2000  }
0xc6: {  	v3 =	vld [tilespmem:$0x70];
	_ =	sdelay $0x4  }
0xc7: {  	v54 =	vshll.u32 v3, $0x3  }
0xc8: {  	v3 =	vand.u32 $0x7, v3;
	v4 =	vand.u32 $0xFFFFFFC0, v54  }
0xc9: {  	v3 =	vor.u32 v3, v4  }
0xca: {  	v4 =	vperm.xlane v3, v0;
	_ =	sdelay $0x1  }
0xcb: {  	v4 =	vadd.s32 v1, v4;
	_ =	sdelay $0x4  }
0xcc: {  	[tilespmem:s0], [sflag:$0x1] =	stream.indirect_vreg.gather [hbm4b:s1+s3], $0x80, v4, vm0, $0xb8;
	[tilespmem:$0x1C100] =	vst v63  }
0xcd: {  	s17 =	simm.s32 $0x900;
	v3 =	vperm.xlane v3, v2  }
0xce: {  	[tilespmem:s17], [sflag:$0x1] =	stream.indirect_vreg.gather [hbm4b:s4+s3], $0x80, v4, vm0, $0xb8;
	[tilespmem:$0x1C100] =	vst v63  }
0xcf: {  	v3 =	vadd.s32 v1, v3;
	s17 =	simm.s32 $0x1100  }
0xd0: {  	[tilespmem:s17], [sflag:$0x1] =	stream.indirect_vreg.gather [hbm4b:s5+s3], $0x80, v4, vm0, $0xb8;
	[tilespmem:$0x1C100] =	vst v63  }
0xd1: {  	s17 =	simm.s32 $0x1900  }
0xd2: {  	[tilespmem:s17], [sflag:$0x1] =	stream.indirect_vreg.gather [hbm4b:s6+s3], $0x80, v4, vm0, $0xb8;
	[tilespmem:$0x1C100] =	vst v63  }
0xd3: {  	s17 =	simm.s32 $0x2100  }
0xd4: {  	[tilespmem:s17], [sflag:$0x1] =	stream.indirect_vreg.gather [hbm4b:s1+s3], $0x80, v3, vm0, $0xb8;
	[tilespmem:$0x1C100] =	vst v63  }
0xd5: {  	s17 =	simm.s32 $0x2900  }
0xd6: {  	[tilespmem:s17], [sflag:$0x1] =	stream.indirect_vreg.gather [hbm4b:s4+s3], $0x80, v3, vm0, $0xb8;
	[tilespmem:$0x1C100] =	vst v63  }
0xd7: {  	s17 =	simm.s32 $0x3100  }
0xd8: {  	[tilespmem:s17], [sflag:$0x1] =	stream.indirect_vreg.gather [hbm4b:s5+s3], $0x80, v3, vm0, $0xb8;
	[tilespmem:$0x1C100] =	vst v63  }
0xd9: {  	s17 =	simm.s32 $0x3900  }
0xda: {  	[tilespmem:s17], [sflag:$0x1] =	stream.indirect_vreg.gather [hbm4b:s6+s3], $0x80, v3, vm0, $0xb8;
	[tilespmem:$0x1C100] =	vst v63  }
0xdb: {  	v3 =	vld [tilespmem:$0x80];
	_ =	sdelay $0x4  }
0xdc: {  	v55 =	vshll.u32 v3, $0x3  }
0xdd: {  	v3 =	vand.u32 $0x7, v3;
	v4 =	vand.u32 $0xFFFFFFC0, v55  }
0xde: {  	v3 =	vor.u32 v3, v4  }
0xdf: {  	v4 =	vperm.xlane v3, v0;
	_ =	sdelay $0x1  }
0xe0: {  	v4 =	vadd.s32 v1, v4;
	_ =	sdelay $0x3  }
0xe1: {  	s17 =	simm.s32 $0x4100  }
0xe2: {  	[tilespmem:s17], [sflag:$0x1] =	stream.indirect_vreg.gather [hbm4b:s1+s3], $0x80, v4, vm0, $0xb8;
	[tilespmem:$0x1C100] =	vst v63  }
0xe3: {  	v3 =	vperm.xlane v3, v2;
	s17 =	simm.s32 $0x4900  }
0xe4: {  	[tilespmem:s17], [sflag:$0x1] =	stream.indirect_vreg.gather [hbm4b:s4+s3], $0x80, v4, vm0, $0xb8;
	[tilespmem:$0x1C100] =	vst v63  }
0xe5: {  	v3 =	vadd.s32 v1, v3;
	s17 =	simm.s32 $0x5100  }
0xe6: {  	[tilespmem:s17], [sflag:$0x1] =	stream.indirect_vreg.gather [hbm4b:s5+s3], $0x80, v4, vm0, $0xb8;
	[tilespmem:$0x1C100] =	vst v63  }
0xe7: {  	s17 =	simm.s32 $0x5900  }
0xe8: {  	[tilespmem:s17], [sflag:$0x1] =	stream.indirect_vreg.gather [hbm4b:s6+s3], $0x80, v4, vm0, $0xb8;
	[tilespmem:$0x1C100] =	vst v63  }
0xe9: {  	s17 =	simm.s32 $0x6100  }
0xea: {  	[tilespmem:s17], [sflag:$0x1] =	stream.indirect_vreg.gather [hbm4b:s1+s3], $0x80, v3, vm0, $0xb8;
	[tilespmem:$0x1C100] =	vst v63  }
0xeb: {  	s17 =	simm.s32 $0x6900  }
0xec: {  	[tilespmem:s17], [sflag:$0x1] =	stream.indirect_vreg.gather [hbm4b:s4+s3], $0x80, v3, vm0, $0xb8;
	[tilespmem:$0x1C100] =	vst v63  }
0xed: {  	s17 =	simm.s32 $0x7100  }
0xee: {  	[tilespmem:s17], [sflag:$0x1] =	stream.indirect_vreg.gather [hbm4b:s5+s3], $0x80, v3, vm0, $0xb8;
	[tilespmem:$0x1C100] =	vst v63  }
0xef: {  	s17 =	simm.s32 $0x7900  }
0xf0: {  	[tilespmem:s17], [sflag:$0x1] =	stream.indirect_vreg.gather [hbm4b:s6+s3], $0x80, v3, vm0, $0xb8;
	[tilespmem:$0x1C100] =	vst v63  }
0xf1: {  	v3 =	vld [tilespmem:$0x90];
	_ =	sdelay $0x4  }
0xf2: {  	v56 =	vshll.u32 v3, $0x3  }
0xf3: {  	v3 =	vand.u32 $0x7, v3;
	v4 =	vand.u32 $0xFFFFFFC0, v56  }
0xf4: {  	v3 =	vor.u32 v3, v4  }
0xf5: {  	v4 =	vperm.xlane v3, v0;
	_ =	sdelay $0x1  }
0xf6: {  	v4 =	vadd.s32 v1, v4;
	_ =	sdelay $0x4  }
0xf7: {  	[tilespmem:s28], [sflag:$0x1] =	stream.indirect_vreg.gather [hbm4b:s1+s3], $0x80, v4, vm0, $0xb8;
	[tilespmem:$0x1C100] =	vst v63  }
0xf8: {  	v3 =	vperm.xlane v3, v2  }
0xf9: {  	[tilespmem:s29], [sflag:$0x1] =	stream.indirect_vreg.gather [hbm4b:s4+s3], $0x80, v4, vm0, $0xb8;
	[tilespmem:$0x1C100] =	vst v63  }
0xfa: {  	v3 =	vadd.s32 v1, v3  }
0xfb: {  	[tilespmem:s15], [sflag:$0x1] =	stream.indirect_vreg.gather [hbm4b:s5+s3], $0x80, v4, vm0, $0xb8;
	[tilespmem:$0x1C100] =	vst v63  }
0xfc: {  	_ = 	snop  }
0xfd: {  	[tilespmem:s25], [sflag:$0x1] =	stream.indirect_vreg.gather [hbm4b:s6+s3], $0x80, v4, vm0, $0xb8;
	[tilespmem:$0x1C100] =	vst v63  }
0xfe: {  	_ = 	snop  }
0xff: {  	[tilespmem:s8], [sflag:$0x1] =	stream.indirect_vreg.gather [hbm4b:s1+s3], $0x80, v3, vm0, $0xb8;
	[tilespmem:$0x1C100] =	vst v63  }
0x100: {  	_ = 	snop  }
0x101: {  	[tilespmem:s10], [sflag:$0x1] =	stream.indirect_vreg.gather [hbm4b:s4+s3], $0x80, v3, vm0, $0xb8;
	[tilespmem:$0x1C100] =	vst v63  }
0x102: {  	_ = 	snop  }
0x103: {  	[tilespmem:s9], [sflag:$0x1] =	stream.indirect_vreg.gather [hbm4b:s5+s3], $0x80, v3, vm0, $0xb8;
	[tilespmem:$0x1C100] =	vst v63  }
0x104: {  	_ = 	snop  }
0x105: {  	[tilespmem:s11], [sflag:$0x1] =	stream.indirect_vreg.gather [hbm4b:s6+s3], $0x80, v3, vm0, $0xb8;
	[tilespmem:$0x1C100] =	vst v63  }
0x106: {  	v3 =	vld.msk [tilespmem:$0xA0], $0xff;
	_ =	sdelay $0x4  }
0x107: {  	v57 =	vshll.u32 v3, $0x3  }
0x108: {  	v3 =	vand.u32 $0x7, v3;
	v4 =	vand.u32 $0xFFFFFFC0, v57  }
0x109: {  	v3 =	vor.u32 v3, v4  }
0x10a: {  	v3 =	vperm.xlane v3, v0;
	_ =	sdelay $0x1  }
0x10b: {  	v3 =	vadd.s32 v1, v3;
	_ =	sdelay $0x4  }
0x10c: {  	[tilespmem:s12], [sflag:$0x1] =	stream.indirect_vreg.gather [hbm4b:s1+s3], $0x80, v3, vm0, $0xb8;
	[tilespmem:$0x1C100] =	vst v63  }
0x10d: {  	_ = 	snop  }
0x10e: {  	[tilespmem:s13], [sflag:$0x1] =	stream.indirect_vreg.gather [hbm4b:s4+s3], $0x80, v3, vm0, $0xb8;
	[tilespmem:$0x1C100] =	vst v63  }
0x10f: {  	_ = 	snop  }
0x110: {  	[tilespmem:s14], [sflag:$0x1] =	stream.indirect_vreg.gather [hbm4b:s5+s3], $0x80, v3, vm0, $0xb8;
	[tilespmem:$0x1C100] =	vst v63  }
0x111: {  	_ = 	snop  }
0x112: {  	[tilespmem:s16], [sflag:$0x1] =	stream.indirect_vreg.gather [hbm4b:s6+s3], $0x80, v3, vm0, $0xb8;
	[tilespmem:$0x1C100] =	vst v63  }
0x113: {  	s8 =	rddreg [dreg:$0x6]  }
0x114: {  	[hbm4b:s8+s3] =	stream.linear.scatter [tilespmem:s31], [sflag:$0x2], $0xE000, $0x38;
	[tilespmem:$0x1C100] =	vst v63  }
0x115: {  	_ =	swait.ge [sflag:s30], $0xE000  }
0x116: {  	[sflag:s30] =	ssyncset.done $0x0  }
0x117: {  	[sflag:s30] =	ssyncadd.s32 $0xFFFF2000  }
0x118: {  	_ =	swait.ge [sflag:s26], $0xE000  }
0x119: {  	[sflag:s26] =	ssyncset.done $0x0  }
0x11a: {  	[sflag:s26] =	ssyncadd.s32 $0xFFFF2000  }
0x11b: {  	v3 =	vld [tilespmem:$0xA8];
	_ =	sdelay $0x4  }
0x11c: {  	v58 =	vshll.u32 v3, $0x3  }
0x11d: {  	v3 =	vand.u32 $0x7, v3;
	v4 =	vand.u32 $0xFFFFFFC0, v58  }
0x11e: {  	v3 =	vor.u32 v3, v4  }
0x11f: {  	v4 =	vperm.xlane v3, v0;
	_ =	sdelay $0x1  }
0x120: {  	v4 =	vadd.s32 v1, v4;
	_ =	sdelay $0x4  }
0x121: {  	[tilespmem:s31], [sflag:$0x1] =	stream.indirect_vreg.gather [hbm4b:s1+s3], $0x80, v4, vm0, $0xb8;
	[tilespmem:$0x1C100] =	vst v63  }
0x122: {  	s28 =	simm.s32 $0xE900;
	v3 =	vperm.xlane v3, v2  }
0x123: {  	[tilespmem:s28], [sflag:$0x1] =	stream.indirect_vreg.gather [hbm4b:s4+s3], $0x80, v4, vm0, $0xb8;
	[tilespmem:$0x1C100] =	vst v63  }
0x124: {  	s29 =	simm.s32 $0xF100;
	v3 =	vadd.s32 v1, v3  }
0x125: {  	[tilespmem:s29], [sflag:$0x1] =	stream.indirect_vreg.gather [hbm4b:s5+s3], $0x80, v4, vm0, $0xb8;
	[tilespmem:$0x1C100] =	vst v63  }
0x126: {  	_ = 	snop  }
0x127: {  	[tilespmem:s18], [sflag:$0x1] =	stream.indirect_vreg.gather [hbm4b:s6+s3], $0x80, v4, vm0, $0xb8;
	[tilespmem:$0x1C100] =	vst v63  }
0x128: {  	_ = 	snop  }
0x129: {  	[tilespmem:s19], [sflag:$0x1] =	stream.indirect_vreg.gather [hbm4b:s1+s3], $0x80, v3, vm0, $0xb8;
	[tilespmem:$0x1C100] =	vst v63  }
0x12a: {  	_ = 	snop  }
0x12b: {  	[tilespmem:s20], [sflag:$0x1] =	stream.indirect_vreg.gather [hbm4b:s4+s3], $0x80, v3, vm0, $0xb8;
	[tilespmem:$0x1C100] =	vst v63  }
0x12c: {  	_ = 	snop  }
0x12d: {  	[tilespmem:s21], [sflag:$0x1] =	stream.indirect_vreg.gather [hbm4b:s5+s3], $0x80, v3, vm0, $0xb8;
	[tilespmem:$0x1C100] =	vst v63  }
0x12e: {  	_ = 	snop  }
0x12f: {  	[tilespmem:s22], [sflag:$0x1] =	stream.indirect_vreg.gather [hbm4b:s6+s3], $0x80, v3, vm0, $0xb8;
	[tilespmem:$0x1C100] =	vst v63  }
0x130: {  	v3 =	vld [tilespmem:$0xB8];
	_ =	sdelay $0x4  }
0x131: {  	v59 =	vshll.u32 v3, $0x3  }
0x132: {  	v3 =	vand.u32 $0x7, v3;
	v4 =	vand.u32 $0xFFFFFFC0, v59  }
0x133: {  	v3 =	vor.u32 v3, v4  }
0x134: {  	v4 =	vperm.xlane v3, v0;
	_ =	sdelay $0x1  }
0x135: {  	v4 =	vadd.s32 v1, v4;
	_ =	sdelay $0x4  }
0x136: {  	[tilespmem:s23], [sflag:$0x1] =	stream.indirect_vreg.gather [hbm4b:s1+s3], $0x80, v4, vm0, $0xb8;
	[tilespmem:$0x1C100] =	vst v63  }
0x137: {  	v3 =	vperm.xlane v3, v2  }
0x138: {  	[tilespmem:s24], [sflag:$0x1] =	stream.indirect_vreg.gather [hbm4b:s4+s3], $0x80, v4, vm0, $0xb8;
	[tilespmem:$0x1C100] =	vst v63  }
0x139: {  	s8 =	simm.s32 $0x13100;
	v3 =	vadd.s32 v1, v3  }
0x13a: {  	[tilespmem:s8], [sflag:$0x1] =	stream.indirect_vreg.gather [hbm4b:s5+s3], $0x80, v4, vm0, $0xb8;
	[tilespmem:$0x1C100] =	vst v63  }
0x13b: {  	s28 =	simm.s32 $0x13900  }
0x13c: {  	[tilespmem:s28], [sflag:$0x1] =	stream.indirect_vreg.gather [hbm4b:s6+s3], $0x80, v4, vm0, $0xb8;
	[tilespmem:$0x1C100] =	vst v63  }
0x13d: {  	s29 =	simm.s32 $0x14100  }
0x13e: {  	[tilespmem:s29], [sflag:$0x1] =	stream.indirect_vreg.gather [hbm4b:s1+s3], $0x80, v3, vm0, $0xb8;
	[tilespmem:$0x1C100] =	vst v63  }
0x13f: {  	s8 =	simm.s32 $0x14900  }
0x140: {  	[tilespmem:s8], [sflag:$0x1] =	stream.indirect_vreg.gather [hbm4b:s4+s3], $0x80, v3, vm0, $0xb8;
	[tilespmem:$0x1C100] =	vst v63  }
0x141: {  	s28 =	simm.s32 $0x15100  }
0x142: {  	[tilespmem:s28], [sflag:$0x1] =	stream.indirect_vreg.gather [hbm4b:s5+s3], $0x80, v3, vm0, $0xb8;
	[tilespmem:$0x1C100] =	vst v63  }
0x143: {  	s29 =	simm.s32 $0x15900  }
0x144: {  	[tilespmem:s29], [sflag:$0x1] =	stream.indirect_vreg.gather [hbm4b:s6+s3], $0x80, v3, vm0, $0xb8;
	[tilespmem:$0x1C100] =	vst v63  }
0x145: {  	v3 =	vld [tilespmem:$0xC8];
	_ =	sdelay $0x4  }
0x146: {  	v60 =	vshll.u32 v3, $0x3  }
0x147: {  	v3 =	vand.u32 $0x7, v3;
	v4 =	vand.u32 $0xFFFFFFC0, v60  }
0x148: {  	v3 =	vor.u32 v3, v4  }
0x149: {  	v4 =	vperm.xlane v3, v0;
	_ =	sdelay $0x1  }
0x14a: {  	v4 =	vadd.s32 v1, v4;
	_ =	sdelay $0x3  }
0x14b: {  	s8 =	simm.s32 $0x16100  }
0x14c: {  	[tilespmem:s8], [sflag:$0x1] =	stream.indirect_vreg.gather [hbm4b:s1+s3], $0x80, v4, vm0, $0xb8;
	[tilespmem:$0x1C100] =	vst v63  }
0x14d: {  	s28 =	simm.s32 $0x16900;
	v3 =	vperm.xlane v3, v2  }
0x14e: {  	[tilespmem:s28], [sflag:$0x1] =	stream.indirect_vreg.gather [hbm4b:s4+s3], $0x80, v4, vm0, $0xb8;
	[tilespmem:$0x1C100] =	vst v63  }
0x14f: {  	s29 =	simm.s32 $0x17100;
	v3 =	vadd.s32 v1, v3  }
0x150: {  	[tilespmem:s29], [sflag:$0x1] =	stream.indirect_vreg.gather [hbm4b:s5+s3], $0x80, v4, vm0, $0xb8;
	[tilespmem:$0x1C100] =	vst v63  }
0x151: {  	s8 =	simm.s32 $0x17900  }
0x152: {  	[tilespmem:s8], [sflag:$0x1] =	stream.indirect_vreg.gather [hbm4b:s6+s3], $0x80, v4, vm0, $0xb8;
	[tilespmem:$0x1C100] =	vst v63  }
0x153: {  	s28 =	simm.s32 $0x18100  }
0x154: {  	[tilespmem:s28], [sflag:$0x1] =	stream.indirect_vreg.gather [hbm4b:s1+s3], $0x80, v3, vm0, $0xb8;
	[tilespmem:$0x1C100] =	vst v63  }
0x155: {  	s29 =	simm.s32 $0x18900  }
0x156: {  	[tilespmem:s29], [sflag:$0x1] =	stream.indirect_vreg.gather [hbm4b:s4+s3], $0x80, v3, vm0, $0xb8;
	[tilespmem:$0x1C100] =	vst v63  }
0x157: {  	s8 =	simm.s32 $0x19100  }
0x158: {  	[tilespmem:s8], [sflag:$0x1] =	stream.indirect_vreg.gather [hbm4b:s5+s3], $0x80, v3, vm0, $0xb8;
	[tilespmem:$0x1C100] =	vst v63  }
0x159: {  	s28 =	simm.s32 $0x19900  }
0x15a: {  	[tilespmem:s28], [sflag:$0x1] =	stream.indirect_vreg.gather [hbm4b:s6+s3], $0x80, v3, vm0, $0xb8;
	[tilespmem:$0x1C100] =	vst v63  }
0x15b: {  	v3 =	vld.msk [tilespmem:$0xD8], $0xff;
	_ =	sdelay $0x4  }
0x15c: {  	v61 =	vshll.u32 v3, $0x3  }
0x15d: {  	v3 =	vand.u32 $0x7, v3;
	v4 =	vand.u32 $0xFFFFFFC0, v61  }
0x15e: {  	v3 =	vor.u32 v3, v4  }
0x15f: {  	v3 =	vperm.xlane v3, v0;
	_ =	sdelay $0x1  }
0x160: {  	v3 =	vadd.s32 v1, v3;
	_ =	sdelay $0x3  }
0x161: {  	s29 =	simm.s32 $0x1A100  }
0x162: {  	[tilespmem:s29], [sflag:$0x1] =	stream.indirect_vreg.gather [hbm4b:s1+s3], $0x80, v3, vm0, $0xb8;
	[tilespmem:$0x1C100] =	vst v63  }
0x163: {  	s8 =	simm.s32 $0x1A900  }
0x164: {  	[tilespmem:s8], [sflag:$0x1] =	stream.indirect_vreg.gather [hbm4b:s4+s3], $0x80, v3, vm0, $0xb8;
	[tilespmem:$0x1C100] =	vst v63  }
0x165: {  	s28 =	simm.s32 $0x1B100  }
0x166: {  	[tilespmem:s28], [sflag:$0x1] =	stream.indirect_vreg.gather [hbm4b:s5+s3], $0x80, v3, vm0, $0xb8;
	[tilespmem:$0x1C100] =	vst v63  }
0x167: {  	s28 =	simm.s32 $0x1B900  }
0x168: {  	[tilespmem:s28], [sflag:$0x1] =	stream.indirect_vreg.gather [hbm4b:s6+s3], $0x80, v3, vm0, $0xb8;
	[tilespmem:$0x1C100] =	vst v63  }
0x169: {  	s29 =	rddreg [dreg:$0x7]  }
0x16a: {  	[hbm4b:s29+s3] =	stream.linear.scatter [tilespmem:s0], [sflag:$0x2], $0xE000, $0x38;
	[tilespmem:$0x1C100] =	vst v63  }
0x16b: {  	_ =	swait.ge [sflag:s30], $0xE000  }
0x16c: {  	[sflag:s30] =	ssyncset.done $0x0  }
0x16d: {  	[sflag:s30] =	ssyncadd.s32 $0xFFFF2000  }
0x16e: {  	_ =	swait.ge [sflag:s26], $0xE000  }
0x16f: {  	[sflag:s26] =	ssyncset.done $0x0  }
0x170: {  	[sflag:s26] =	ssyncadd.s32 $0xFFFF2000  }
0x171: {  	v3 =	vld [tilespmem:$0xE0];
	_ =	sdelay $0x4  }
0x172: {  	v62 =	vshll.u32 v3, $0x3  }
0x173: {  	v3 =	vand.u32 $0x7, v3;
	v4 =	vand.u32 $0xFFFFFFC0, v62  }
0x174: {  	v3 =	vor.u32 v3, v4  }
0x175: {  	v4 =	vperm.xlane v3, v0;
	_ =	sdelay $0x1  }
0x176: {  	v4 =	vadd.s32 v1, v4;
	_ =	sdelay $0x4  }
0x177: {  	[tilespmem:s0], [sflag:$0x1] =	stream.indirect_vreg.gather [hbm4b:s1+s3], $0x80, v4, vm0, $0xb8;
	[tilespmem:$0x1C100] =	vst v63  }
0x178: {  	s29 =	simm.s32 $0x900;
	v3 =	vperm.xlane v3, v2  }
0x179: {  	[tilespmem:s29], [sflag:$0x1] =	stream.indirect_vreg.gather [hbm4b:s4+s3], $0x80, v4, vm0, $0xb8;
	[tilespmem:$0x1C100] =	vst v63  }
0x17a: {  	s8 =	simm.s32 $0x1100;
	v3 =	vadd.s32 v1, v3  }
0x17b: {  	[tilespmem:s8], [sflag:$0x1] =	stream.indirect_vreg.gather [hbm4b:s5+s3], $0x80, v4, vm0, $0xb8;
	[tilespmem:$0x1C100] =	vst v63  }
0x17c: {  	s28 =	simm.s32 $0x1900  }
0x17d: {  	[tilespmem:s28], [sflag:$0x1] =	stream.indirect_vreg.gather [hbm4b:s6+s3], $0x80, v4, vm0, $0xb8;
	[tilespmem:$0x1C100] =	vst v63  }
0x17e: {  	s29 =	simm.s32 $0x2100  }
0x17f: {  	[tilespmem:s29], [sflag:$0x1] =	stream.indirect_vreg.gather [hbm4b:s1+s3], $0x80, v3, vm0, $0xb8;
	[tilespmem:$0x1C100] =	vst v63  }
0x180: {  	s8 =	simm.s32 $0x2900  }
0x181: {  	[tilespmem:s8], [sflag:$0x1] =	stream.indirect_vreg.gather [hbm4b:s4+s3], $0x80, v3, vm0, $0xb8;
	[tilespmem:$0x1C100] =	vst v63  }
0x182: {  	s28 =	simm.s32 $0x3100  }
0x183: {  	[tilespmem:s28], [sflag:$0x1] =	stream.indirect_vreg.gather [hbm4b:s5+s3], $0x80, v3, vm0, $0xb8;
	[tilespmem:$0x1C100] =	vst v63  }
0x184: {  	s29 =	simm.s32 $0x3900  }
0x185: {  	[tilespmem:s29], [sflag:$0x1] =	stream.indirect_vreg.gather [hbm4b:s6+s3], $0x80, v3, vm0, $0xb8;
	[tilespmem:$0x1C100] =	vst v63  }
0x186: {  	v3 =	vld [tilespmem:$0xF0];
	_ =	sdelay $0x4  }
0x187: {  	v63 =	vshll.u32 v3, $0x3  }
0x188: {  	v3 =	vand.u32 $0x7, v3;
	v4 =	vand.u32 $0xFFFFFFC0, v63  }
0x189: {  	v3 =	vor.u32 v3, v4  }
0x18a: {  	v4 =	vperm.xlane v3, v0;
	_ =	sdelay $0x1  }
0x18b: {  	v4 =	vadd.s32 v1, v4;
	_ =	sdelay $0x3  }
0x18c: {  	s8 =	simm.s32 $0x4100  }
0x18d: {  	[tilespmem:s8], [sflag:$0x1] =	stream.indirect_vreg.gather [hbm4b:s1+s3], $0x80, v4, vm0, $0xb8;
	[tilespmem:$0x1C100] =	vst v63  }
0x18e: {  	s28 =	simm.s32 $0x4900;
	v3 =	vperm.xlane v3, v2  }
0x18f: {  	[tilespmem:s28], [sflag:$0x1] =	stream.indirect_vreg.gather [hbm4b:s4+s3], $0x80, v4, vm0, $0xb8;
	[tilespmem:$0x1C100] =	vst v63  }
0x190: {  	s29 =	simm.s32 $0x5100;
	v3 =	vadd.s32 v1, v3  }
0x191: {  	[tilespmem:s29], [sflag:$0x1] =	stream.indirect_vreg.gather [hbm4b:s5+s3], $0x80, v4, vm0, $0xb8;
	[tilespmem:$0x1C100] =	vst v63  }
0x192: {  	s8 =	simm.s32 $0x5900  }
0x193: {  	[tilespmem:s8], [sflag:$0x1] =	stream.indirect_vreg.gather [hbm4b:s6+s3], $0x80, v4, vm0, $0xb8;
	[tilespmem:$0x1C100] =	vst v63  }
0x194: {  	s28 =	simm.s32 $0x6100  }
0x195: {  	[tilespmem:s28], [sflag:$0x1] =	stream.indirect_vreg.gather [hbm4b:s1+s3], $0x80, v3, vm0, $0xb8;
	[tilespmem:$0x1C100] =	vst v63  }
0x196: {  	s29 =	simm.s32 $0x6900  }
0x197: {  	[tilespmem:s29], [sflag:$0x1] =	stream.indirect_vreg.gather [hbm4b:s4+s3], $0x80, v3, vm0, $0xb8;
	[tilespmem:$0x1C100] =	vst v63  }
0x198: {  	s8 =	simm.s32 $0x7100  }
0x199: {  	[tilespmem:s8], [sflag:$0x1] =	stream.indirect_vreg.gather [hbm4b:s5+s3], $0x80, v3, vm0, $0xb8;
	[tilespmem:$0x1C100] =	vst v63  }
0x19a: {  	s17 =	simm.s32 $0x7900  }
0x19b: {  	[tilespmem:s17], [sflag:$0x1] =	stream.indirect_vreg.gather [hbm4b:s6+s3], $0x80, v3, vm0, $0xb8;
	[tilespmem:$0x1C100] =	vst v63  }
0x19c: {  	s28 =	rddreg [dreg:$0x8]  }
0x19d: {  	[hbm4b:s28+s3] =	stream.linear.scatter [tilespmem:s31], [sflag:$0x2], $0xE000, $0x38;
	[tilespmem:$0x1C100] =	vst v63  }
0x19e: {  	_ =	swait.ge [sflag:s30], $0x8000  }
0x19f: {  	[sflag:s30] =	ssyncset.done $0x0  }
0x1a0: {  	s29 =	rddreg [dreg:$0x9];
	[sflag:s30] =	ssyncadd.s32 $0xFFFF8000  }
0x1a1: {  	[hbm4b:s29+s3] =	stream.linear.scatter [tilespmem:s0], [sflag:$0x2], $0x8000, $0x38;
	[tilespmem:$0x1C100] =	vst v63  }
0x1a2: {  	p0 =	sne.s32 s7, $0x1;
	_ =	swait.ge [sflag:s26], $0xE000  }
.Ltmp0:
0x1a3: {  	[sflag:s26] =	ssyncset.done $0x0;
	(pc) =	sbr.rel @p0 .LBB2_1-.Ltmp0, $4  }
0x1a4: {  	[sflag:s26] =	ssyncadd.s32 $0xFFFF2000  }
0x1a5: {  	_ =	swait.ge [sflag:s26], $0x8000  }
0x1a6: {  	[sflag:s26] =	ssyncset.done $0x0  }
0x1a7: {  	s7 =	sadd.s32 $0xFFFFFFFF, s7;
	[sflag:s26] =	ssyncadd.s32 $0xFFFF8000  }
0x1a8: {  	_ =	sfence.sel $0x180000  }
0x1a9: {  	[bflag:$0x0] =	sbarrier.arrive $0xFFFF  }
0x1aa: {  	_ =	strace $0x90000047  }
0x1ab: {  	s0 =	stileid.u32;
	[bflag:$0x2] =	sbarrier.arrive $0xFFFF  }
0x1ac: {  	p0 =	sne.s32 s0, $0x0;
	s0 =	rddreg [dreg:$0x3]  }
0x1ad: {  	s0 =	sadd.s32 @!p0 $0x100000, s0  }
0x1ae: {  	[sflag:s0] =	ssyncadd.tile.s32 @!p0 $0x1;
	_ =	shalt  }
.Lfunc_end2:
_tile_overlayer_lowered:
.L_overlay_start_2:
0x1af: {  	(tag) =	ssettag $0x2  }
0x1b0: {  	s0 =	rddreg [dreg:$0x0];
	s2 =	stileid.u32  }
0x1b1: {  	s1 =	rddreg [dreg:$0x1];
	p0 =	sne.s32 s2, $0x0  }
0x1b2: {  	s3 =	rddreg [dreg:$0x2];
	[bflag:$0x3] =	sbarrier.arrive $0xFFFF;
	s2 =	simm.s32 @!p0 $0x1C03  }
0x1b3: {  	[timem:s3], [sflag:s2] =	dma.local @!p0 [hbm:s0], s1  }
0x1b4: {  	s0 =	simm.s32 @!p0 $0x3  }
0x1b5: {  	_ =	swait.ge @!p0 [sflag:s0], s1  }
0x1b6: {  	s1 =	ssub.s32 @!p0 $0x0, s1;
	[sflag:s0] =	ssyncset.done @!p0 $0x0  }
0x1b7: {  	[sflag:s0] =	ssyncadd.s32 @!p0 s1  }
0x1b8: {  	[bflag:$0x3] =	sbarrier.arrive $0xFFFF  }
0x1b9: {  	_ =	shalt  }

</sc_bundles>
